<compile_context>
chip_gen: v7x
topology: tpu7x:2x2x1
jax: 0.10.2.dev20260603
libtpu: 0.0.44.dev20260713+nightly
codegen_flags: <defaults>
</compile_context>

<pallas_src>
import functools

import jax
import jax.numpy as jnp
from jax import lax
from jax.experimental import pallas as pl
from jax.experimental.pallas import tpu as pltpu
from jax.experimental.pallas import tpu_sc as plsc

NUM_EMB = 1000000
D = 64
B = 16384 * 20
NC = 2
NS = 16
NW = NC * NS
B_PER_W = B // NW
CHUNK = 128
CHUNKS = B_PER_W // CHUNK
K = 8
GROUPS = CHUNKS // K


def _emb_kernel(x_hbm, tab_hbm, out_hbm, idx_v, bufs, gsems, wsems):
    wid = lax.axis_index("s") * NC + lax.axis_index("c")
    pltpu.sync_copy(x_hbm.at[wid], idx_v)

    def gather(c, b):
        pltpu.async_copy(tab_hbm.at[idx_v.at[c]], bufs.at[b], gsems.at[b])

    for b in range(K):
        gather(b, b)

    @pl.loop(0, GROUPS)
    def _(g):
        c0 = g * K
        for b in range(K):
            pltpu.make_async_copy(
                tab_hbm.at[idx_v.at[0]], bufs.at[b], gsems.at[b]
            ).wait()
            pltpu.async_copy(bufs.at[b], out_hbm.at[wid, c0 + b], wsems.at[b])

        @pl.when(g + 1 < GROUPS)
        def _():
            for b in range(K):
                pltpu.make_async_copy(
                    bufs.at[b], out_hbm.at[wid, 0], wsems.at[b]
                ).wait()
                gather(c0 + K + b, b)

    for b in range(K):
        pltpu.make_async_copy(bufs.at[b], out_hbm.at[wid, 0], wsems.at[b]).wait()


@jax.jit
def _emb(x2d, weight):
    mesh = plsc.VectorSubcoreMesh(core_axis_name="c", subcore_axis_name="s")
    f = functools.partial(
        pl.kernel,
        mesh=mesh,
        out_type=jax.ShapeDtypeStruct((NW, CHUNKS, CHUNK, D), jnp.float32),
        scratch_types=[
            pltpu.VMEM((CHUNKS, CHUNK), jnp.int32),
            pltpu.VMEM((K, CHUNK, D), jnp.float32),
            pltpu.SemaphoreType.DMA((K,)),
            pltpu.SemaphoreType.DMA((K,)),
        ],
        compiler_params=pltpu.CompilerParams(use_tc_tiling_on_sc=False),
    )(_emb_kernel)
    return f(x2d, weight)


def kernel(x, weight):
    x2d = x.astype(jnp.int32).reshape(NW, CHUNKS, CHUNK)
    out = _emb(x2d, weight)
    return out.reshape(x.shape[0], x.shape[1], D)

# --- scband reference (transcript-rebuilt; emitter-appended) ---
"""Pipeline reference for scband-quant-embedding-28587302323045 (READ-ONLY COPY).

The authoritative reference and input builder live on the scoring server;
editing this copy changes nothing except your own understanding.
"""

import jax, jax.numpy as jnp
import numpy as np

NUM_EMBEDDINGS = 1000000
EMBEDDING_DIM = 64

def setup_inputs(seed: int = 0) -> dict:
    key = jax.random.key(seed)
    k1, k2 = jax.random.split(key)
    x = jax.random.randint(k1, (16384, 20), 0, NUM_EMBEDDINGS, dtype=jnp.int64) if jax.config.jax_enable_x64 else jax.random.randint(k1, (16384, 20), 0, NUM_EMBEDDINGS, dtype=jnp.int32)
    weight = jax.random.normal(k2, (NUM_EMBEDDINGS, EMBEDDING_DIM), dtype=jnp.float32)
    return {"x": x, "weight": weight}

def reference(x, weight):
    # QuantEmbedding with quant_mode=False: plain F.embedding lookup
    # (padding_idx=None, max_norm=None, so no extra handling needed).
    emb = jnp.take(weight, x, axis=0)
    # Original torch module returns (embedding, None); the scaling factor is
    # None in the non-quantized path. Return the embedding output.
    return emb

if __name__ == "__main__":
    import jax
    _d = setup_inputs()
    print(jax.jit(kernel)(*tuple(_d.values())))

</pallas_src>

<mosaic_0001>
#map = affine_map<(d0, d1) -> (0, 0, 0)>
#map1 = affine_map<(d0, d1) -> (0, 0)>
#map2 = affine_map<(d0, d1) -> (0, 0, 0, 0)>
module attributes {stable_mosaic.version = 14 : i64} {
  func.func @_emb_kernel(%arg0: i32, %arg1: i32, %arg2: memref<32x80x128xi32, #tpu.memory_space<hbm>>, %arg3: memref<1000000x64xf32, #tpu.memory_space<hbm>>, %arg4: memref<32x80x128x64xf32, #tpu.memory_space<hbm>>, %arg5: memref<80x128xi32, #tpu.memory_space<vmem>>, %arg6: memref<8x128x64xf32, #tpu.memory_space<vmem>>, %arg7: memref<8x!tpu.dma_semaphore, #tpu.memory_space<semaphore_mem>>, %arg8: memref<8x!tpu.dma_semaphore, #tpu.memory_space<semaphore_mem>>) attributes {dimension_semantics = [#tpu.dimension_semantics<core_parallel>, #tpu.dimension_semantics<subcore_parallel>], iteration_bounds = array<i64: 2, 16>, scalar_prefetch = 0 : i64, scratch_operands = 4 : i64, tpu.core_type = #tpu.core_type<sc_vector_subcore>, window_params = [{transform_indices = #map}, {transform_indices = #map1}, {transform_indices = #map2}]} {
    %mul3A = arith.constant 2 : i32
    %mul3A_0 = arith.muli %arg1, %mul3A : i32
    %add3A = arith.addi %mul3A_0, %arg0 : i32
    "tpu.region"() ({
      %run_scoped3A = tpu.sem_alloc : memref<!tpu.dma_semaphore, #tpu.memory_space<semaphore_mem>>
      %dma_start3A_291 = arith.constant 0 : i32
      %dma_start3A_292 = arith.constant 0 : i32
      %dma_start3A_293 = tpu.memref_slice %arg2[%add3A, %dma_start3A_291, %dma_start3A_292] : memref<32x80x128xi32, #tpu.memory_space<hbm>> -> memref<1x80x128xi32, #tpu.memory_space<hbm>>
      %dma_start3A_294 = tpu.memref_squeeze %dma_start3A_293 : memref<1x80x128xi32, #tpu.memory_space<hbm>> -> memref<80x128xi32, #tpu.memory_space<hbm>>
      %dma_start3A_295 = arith.constant 0 : i32
      %dma_start3A_296 = arith.constant 0 : i32
      %dma_start3A_297 = tpu.memref_slice %arg2[%add3A, %dma_start3A_295, %dma_start3A_296] : memref<32x80x128xi32, #tpu.memory_space<hbm>> -> memref<1x80x128xi32, #tpu.memory_space<hbm>>
      %dma_start3A_298 = tpu.memref_squeeze %dma_start3A_297 : memref<1x80x128xi32, #tpu.memory_space<hbm>> -> memref<80x128xi32, #tpu.memory_space<hbm>>
      tpu.enqueue_dma source(%dma_start3A_298 : memref<80x128xi32, #tpu.memory_space<hbm>>) target(%arg5 : memref<80x128xi32, #tpu.memory_space<vmem>>) target_semaphore(%run_scoped3A : memref<!tpu.dma_semaphore, #tpu.memory_space<semaphore_mem>>)
      %dma_wait3A_299 = arith.constant 0 : i32
      %dma_wait3A_300 = arith.constant 0 : i32
      %dma_wait3A_301 = tpu.memref_slice %arg2[%add3A, %dma_wait3A_299, %dma_wait3A_300] : memref<32x80x128xi32, #tpu.memory_space<hbm>> -> memref<1x80x128xi32, #tpu.memory_space<hbm>>
      %dma_wait3A_302 = tpu.memref_squeeze %dma_wait3A_301 : memref<1x80x128xi32, #tpu.memory_space<hbm>> -> memref<80x128xi32, #tpu.memory_space<hbm>>
      %dma_wait3A_303 = arith.constant 0 : i32
      %dma_wait3A_304 = arith.constant 0 : i32
      %dma_wait3A_305 = tpu.memref_slice %arg2[%add3A, %dma_wait3A_303, %dma_wait3A_304] : memref<32x80x128xi32, #tpu.memory_space<hbm>> -> memref<1x80x128xi32, #tpu.memory_space<hbm>>
      %dma_wait3A_306 = tpu.memref_squeeze %dma_wait3A_305 : memref<1x80x128xi32, #tpu.memory_space<hbm>> -> memref<80x128xi32, #tpu.memory_space<hbm>>
      tpu.wait_dma2 semaphore(%run_scoped3A : memref<!tpu.dma_semaphore, #tpu.memory_space<semaphore_mem>>) src(%dma_wait3A_306 : memref<80x128xi32, #tpu.memory_space<hbm>>) dst(%arg5 : memref<80x128xi32, #tpu.memory_space<vmem>>)
      tpu.yield
    }) : () -> ()
    %dma_start3A = arith.constant 0 : i32
    %dma_start3A_1 = arith.constant 0 : i32
    %dma_start3A_2 = arith.constant 0 : i32
    %dma_start3A_3 = arith.constant 0 : i32
    %dma_start3A_4 = arith.constant 0 : i32
    %dma_start3A_5 = tpu.memref_slice %arg6[%dma_start3A_1, %dma_start3A_3, %dma_start3A_4] : memref<8x128x64xf32, #tpu.memory_space<vmem>> -> memref<1x128x64xf32, #tpu.memory_space<vmem>>
    %dma_start3A_6 = tpu.memref_squeeze %dma_start3A_5 : memref<1x128x64xf32, #tpu.memory_space<vmem>> -> memref<128x64xf32, #tpu.memory_space<vmem>>
    %dma_start3A_7 = arith.constant 0 : i32
    %dma_start3A_8 = tpu.memref_slice %arg5[%dma_start3A, %dma_start3A_7] : memref<80x128xi32, #tpu.memory_space<vmem>> -> memref<1x128xi32, #tpu.memory_space<vmem>>
    %dma_start3A_9 = tpu.memref_squeeze %dma_start3A_8 : memref<1x128xi32, #tpu.memory_space<vmem>> -> memref<128xi32, #tpu.memory_space<vmem>>
    %dma_start3A_10 = arith.constant 0 : i32
    %dma_start3A_11 = arith.constant 0 : i32
    %dma_start3A_12 = tpu.memref_slice %arg3[%dma_start3A_10, %dma_start3A_11] : memref<1000000x64xf32, #tpu.memory_space<hbm>> -> memref<1000000x64xf32, #tpu.memory_space<hbm>>
    %dma_start3A_13 = tpu.memref_slice %arg7[%dma_start3A_2] : memref<8x!tpu.dma_semaphore, #tpu.memory_space<semaphore_mem>> -> memref<1x!tpu.dma_semaphore, #tpu.memory_space<semaphore_mem>>
    %dma_start3A_14 = tpu.memref_squeeze %dma_start3A_13 : memref<1x!tpu.dma_semaphore, #tpu.memory_space<semaphore_mem>> -> memref<!tpu.dma_semaphore, #tpu.memory_space<semaphore_mem>>
    tpu.enqueue_indirect_dma source(%dma_start3A_12 : memref<1000000x64xf32, #tpu.memory_space<hbm>>) target(%dma_start3A_6 : memref<128x64xf32, #tpu.memory_space<vmem>>) offsets(%dma_start3A_9 : memref<128xi32, #tpu.memory_space<vmem>>) semaphore(%dma_start3A_14 : memref<!tpu.dma_semaphore, #tpu.memory_space<semaphore_mem>>)
    %dma_start3A_15 = arith.constant 1 : i32
    %dma_start3A_16 = arith.constant 1 : i32
    %dma_start3A_17 = arith.constant 1 : i32
    %dma_start3A_18 = arith.constant 0 : i32
    %dma_start3A_19 = arith.constant 0 : i32
    %dma_start3A_20 = tpu.memref_slice %arg6[%dma_start3A_16, %dma_start3A_18, %dma_start3A_19] : memref<8x128x64xf32, #tpu.memory_space<vmem>> -> memref<1x128x64xf32, #tpu.memory_space<vmem>>
    %dma_start3A_21 = tpu.memref_squeeze %dma_start3A_20 : memref<1x128x64xf32, #tpu.memory_space<vmem>> -> memref<128x64xf32, #tpu.memory_space<vmem>>
    %dma_start3A_22 = arith.constant 0 : i32
    %dma_start3A_23 = tpu.memref_slice %arg5[%dma_start3A_15, %dma_start3A_22] : memref<80x128xi32, #tpu.memory_space<vmem>> -> memref<1x128xi32, #tpu.memory_space<vmem>>
    %dma_start3A_24 = tpu.memref_squeeze %dma_start3A_23 : memref<1x128xi32, #tpu.memory_space<vmem>> -> memref<128xi32, #tpu.memory_space<vmem>>
    %dma_start3A_25 = arith.constant 0 : i32
    %dma_start3A_26 = arith.constant 0 : i32
    %dma_start3A_27 = tpu.memref_slice %arg3[%dma_start3A_25, %dma_start3A_26] : memref<1000000x64xf32, #tpu.memory_space<hbm>> -> memref<1000000x64xf32, #tpu.memory_space<hbm>>
    %dma_start3A_28 = tpu.memref_slice %arg7[%dma_start3A_17] : memref<8x!tpu.dma_semaphore, #tpu.memory_space<semaphore_mem>> -> memref<1x!tpu.dma_semaphore, #tpu.memory_space<semaphore_mem>>
    %dma_start3A_29 = tpu.memref_squeeze %dma_start3A_28 : memref<1x!tpu.dma_semaphore, #tpu.memory_space<semaphore_mem>> -> memref<!tpu.dma_semaphore, #tpu.memory_space<semaphore_mem>>
    tpu.enqueue_indirect_dma source(%dma_start3A_27 : memref<1000000x64xf32, #tpu.memory_space<hbm>>) target(%dma_start3A_21 : memref<128x64xf32, #tpu.memory_space<vmem>>) offsets(%dma_start3A_24 : memref<128xi32, #tpu.memory_space<vmem>>) semaphore(%dma_start3A_29 : memref<!tpu.dma_semaphore, #tpu.memory_space<semaphore_mem>>)
    %dma_start3A_30 = arith.constant 2 : i32
    %dma_start3A_31 = arith.constant 2 : i32
    %dma_start3A_32 = arith.constant 2 : i32
    %dma_start3A_33 = arith.constant 0 : i32
    %dma_start3A_34 = arith.constant 0 : i32
    %dma_start3A_35 = tpu.memref_slice %arg6[%dma_start3A_31, %dma_start3A_33, %dma_start3A_34] : memref<8x128x64xf32, #tpu.memory_space<vmem>> -> memref<1x128x64xf32, #tpu.memory_space<vmem>>
    %dma_start3A_36 = tpu.memref_squeeze %dma_start3A_35 : memref<1x128x64xf32, #tpu.memory_space<vmem>> -> memref<128x64xf32, #tpu.memory_space<vmem>>
    %dma_start3A_37 = arith.constant 0 : i32
    %dma_start3A_38 = tpu.memref_slice %arg5[%dma_start3A_30, %dma_start3A_37] : memref<80x128xi32, #tpu.memory_space<vmem>> -> memref<1x128xi32, #tpu.memory_space<vmem>>
    %dma_start3A_39 = tpu.memref_squeeze %dma_start3A_38 : memref<1x128xi32, #tpu.memory_space<vmem>> -> memref<128xi32, #tpu.memory_space<vmem>>
    %dma_start3A_40 = arith.constant 0 : i32
    %dma_start3A_41 = arith.constant 0 : i32
    %dma_start3A_42 = tpu.memref_slice %arg3[%dma_start3A_40, %dma_start3A_41] : memref<1000000x64xf32, #tpu.memory_space<hbm>> -> memref<1000000x64xf32, #tpu.memory_space<hbm>>
    %dma_start3A_43 = tpu.memref_slice %arg7[%dma_start3A_32] : memref<8x!tpu.dma_semaphore, #tpu.memory_space<semaphore_mem>> -> memref<1x!tpu.dma_semaphore, #tpu.memory_space<semaphore_mem>>
    %dma_start3A_44 = tpu.memref_squeeze %dma_start3A_43 : memref<1x!tpu.dma_semaphore, #tpu.memory_space<semaphore_mem>> -> memref<!tpu.dma_semaphore, #tpu.memory_space<semaphore_mem>>
    tpu.enqueue_indirect_dma source(%dma_start3A_42 : memref<1000000x64xf32, #tpu.memory_space<hbm>>) target(%dma_start3A_36 : memref<128x64xf32, #tpu.memory_space<vmem>>) offsets(%dma_start3A_39 : memref<128xi32, #tpu.memory_space<vmem>>) semaphore(%dma_start3A_44 : memref<!tpu.dma_semaphore, #tpu.memory_space<semaphore_mem>>)
    %dma_start3A_45 = arith.constant 3 : i32
    %dma_start3A_46 = arith.constant 3 : i32
    %dma_start3A_47 = arith.constant 3 : i32
    %dma_start3A_48 = arith.constant 0 : i32
    %dma_start3A_49 = arith.constant 0 : i32
    %dma_start3A_50 = tpu.memref_slice %arg6[%dma_start3A_46, %dma_start3A_48, %dma_start3A_49] : memref<8x128x64xf32, #tpu.memory_space<vmem>> -> memref<1x128x64xf32, #tpu.memory_space<vmem>>
    %dma_start3A_51 = tpu.memref_squeeze %dma_start3A_50 : memref<1x128x64xf32, #tpu.memory_space<vmem>> -> memref<128x64xf32, #tpu.memory_space<vmem>>
    %dma_start3A_52 = arith.constant 0 : i32
    %dma_start3A_53 = tpu.memref_slice %arg5[%dma_start3A_45, %dma_start3A_52] : memref<80x128xi32, #tpu.memory_space<vmem>> -> memref<1x128xi32, #tpu.memory_space<vmem>>
    %dma_start3A_54 = tpu.memref_squeeze %dma_start3A_53 : memref<1x128xi32, #tpu.memory_space<vmem>> -> memref<128xi32, #tpu.memory_space<vmem>>
    %dma_start3A_55 = arith.constant 0 : i32
    %dma_start3A_56 = arith.constant 0 : i32
    %dma_start3A_57 = tpu.memref_slice %arg3[%dma_start3A_55, %dma_start3A_56] : memref<1000000x64xf32, #tpu.memory_space<hbm>> -> memref<1000000x64xf32, #tpu.memory_space<hbm>>
    %dma_start3A_58 = tpu.memref_slice %arg7[%dma_start3A_47] : memref<8x!tpu.dma_semaphore, #tpu.memory_space<semaphore_mem>> -> memref<1x!tpu.dma_semaphore, #tpu.memory_space<semaphore_mem>>
    %dma_start3A_59 = tpu.memref_squeeze %dma_start3A_58 : memref<1x!tpu.dma_semaphore, #tpu.memory_space<semaphore_mem>> -> memref<!tpu.dma_semaphore, #tpu.memory_space<semaphore_mem>>
    tpu.enqueue_indirect_dma source(%dma_start3A_57 : memref<1000000x64xf32, #tpu.memory_space<hbm>>) target(%dma_start3A_51 : memref<128x64xf32, #tpu.memory_space<vmem>>) offsets(%dma_start3A_54 : memref<128xi32, #tpu.memory_space<vmem>>) semaphore(%dma_start3A_59 : memref<!tpu.dma_semaphore, #tpu.memory_space<semaphore_mem>>)
    %dma_start3A_60 = arith.constant 4 : i32
    %dma_start3A_61 = arith.constant 4 : i32
    %dma_start3A_62 = arith.constant 4 : i32
    %dma_start3A_63 = arith.constant 0 : i32
    %dma_start3A_64 = arith.constant 0 : i32
    %dma_start3A_65 = tpu.memref_slice %arg6[%dma_start3A_61, %dma_start3A_63, %dma_start3A_64] : memref<8x128x64xf32, #tpu.memory_space<vmem>> -> memref<1x128x64xf32, #tpu.memory_space<vmem>>
    %dma_start3A_66 = tpu.memref_squeeze %dma_start3A_65 : memref<1x128x64xf32, #tpu.memory_space<vmem>> -> memref<128x64xf32, #tpu.memory_space<vmem>>
    %dma_start3A_67 = arith.constant 0 : i32
    %dma_start3A_68 = tpu.memref_slice %arg5[%dma_start3A_60, %dma_start3A_67] : memref<80x128xi32, #tpu.memory_space<vmem>> -> memref<1x128xi32, #tpu.memory_space<vmem>>
    %dma_start3A_69 = tpu.memref_squeeze %dma_start3A_68 : memref<1x128xi32, #tpu.memory_space<vmem>> -> memref<128xi32, #tpu.memory_space<vmem>>
    %dma_start3A_70 = arith.constant 0 : i32
    %dma_start3A_71 = arith.constant 0 : i32
    %dma_start3A_72 = tpu.memref_slice %arg3[%dma_start3A_70, %dma_start3A_71] : memref<1000000x64xf32, #tpu.memory_space<hbm>> -> memref<1000000x64xf32, #tpu.memory_space<hbm>>
    %dma_start3A_73 = tpu.memref_slice %arg7[%dma_start3A_62] : memref<8x!tpu.dma_semaphore, #tpu.memory_space<semaphore_mem>> -> memref<1x!tpu.dma_semaphore, #tpu.memory_space<semaphore_mem>>
    %dma_start3A_74 = tpu.memref_squeeze %dma_start3A_73 : memref<1x!tpu.dma_semaphore, #tpu.memory_space<semaphore_mem>> -> memref<!tpu.dma_semaphore, #tpu.memory_space<semaphore_mem>>
    tpu.enqueue_indirect_dma source(%dma_start3A_72 : memref<1000000x64xf32, #tpu.memory_space<hbm>>) target(%dma_start3A_66 : memref<128x64xf32, #tpu.memory_space<vmem>>) offsets(%dma_start3A_69 : memref<128xi32, #tpu.memory_space<vmem>>) semaphore(%dma_start3A_74 : memref<!tpu.dma_semaphore, #tpu.memory_space<semaphore_mem>>)
    %dma_start3A_75 = arith.constant 5 : i32
    %dma_start3A_76 = arith.constant 5 : i32
    %dma_start3A_77 = arith.constant 5 : i32
    %dma_start3A_78 = arith.constant 0 : i32
    %dma_start3A_79 = arith.constant 0 : i32
    %dma_start3A_80 = tpu.memref_slice %arg6[%dma_start3A_76, %dma_start3A_78, %dma_start3A_79] : memref<8x128x64xf32, #tpu.memory_space<vmem>> -> memref<1x128x64xf32, #tpu.memory_space<vmem>>
    %dma_start3A_81 = tpu.memref_squeeze %dma_start3A_80 : memref<1x128x64xf32, #tpu.memory_space<vmem>> -> memref<128x64xf32, #tpu.memory_space<vmem>>
    %dma_start3A_82 = arith.constant 0 : i32
    %dma_start3A_83 = tpu.memref_slice %arg5[%dma_start3A_75, %dma_start3A_82] : memref<80x128xi32, #tpu.memory_space<vmem>> -> memref<1x128xi32, #tpu.memory_space<vmem>>
    %dma_start3A_84 = tpu.memref_squeeze %dma_start3A_83 : memref<1x128xi32, #tpu.memory_space<vmem>> -> memref<128xi32, #tpu.memory_space<vmem>>
    %dma_start3A_85 = arith.constant 0 : i32
    %dma_start3A_86 = arith.constant 0 : i32
    %dma_start3A_87 = tpu.memref_slice %arg3[%dma_start3A_85, %dma_start3A_86] : memref<1000000x64xf32, #tpu.memory_space<hbm>> -> memref<1000000x64xf32, #tpu.memory_space<hbm>>
    %dma_start3A_88 = tpu.memref_slice %arg7[%dma_start3A_77] : memref<8x!tpu.dma_semaphore, #tpu.memory_space<semaphore_mem>> -> memref<1x!tpu.dma_semaphore, #tpu.memory_space<semaphore_mem>>
    %dma_start3A_89 = tpu.memref_squeeze %dma_start3A_88 : memref<1x!tpu.dma_semaphore, #tpu.memory_space<semaphore_mem>> -> memref<!tpu.dma_semaphore, #tpu.memory_space<semaphore_mem>>
    tpu.enqueue_indirect_dma source(%dma_start3A_87 : memref<1000000x64xf32, #tpu.memory_space<hbm>>) target(%dma_start3A_81 : memref<128x64xf32, #tpu.memory_space<vmem>>) offsets(%dma_start3A_84 : memref<128xi32, #tpu.memory_space<vmem>>) semaphore(%dma_start3A_89 : memref<!tpu.dma_semaphore, #tpu.memory_space<semaphore_mem>>)
    %dma_start3A_90 = arith.constant 6 : i32
    %dma_start3A_91 = arith.constant 6 : i32
    %dma_start3A_92 = arith.constant 6 : i32
    %dma_start3A_93 = arith.constant 0 : i32
    %dma_start3A_94 = arith.constant 0 : i32
    %dma_start3A_95 = tpu.memref_slice %arg6[%dma_start3A_91, %dma_start3A_93, %dma_start3A_94] : memref<8x128x64xf32, #tpu.memory_space<vmem>> -> memref<1x128x64xf32, #tpu.memory_space<vmem>>
    %dma_start3A_96 = tpu.memref_squeeze %dma_start3A_95 : memref<1x128x64xf32, #tpu.memory_space<vmem>> -> memref<128x64xf32, #tpu.memory_space<vmem>>
    %dma_start3A_97 = arith.constant 0 : i32
    %dma_start3A_98 = tpu.memref_slice %arg5[%dma_start3A_90, %dma_start3A_97] : memref<80x128xi32, #tpu.memory_space<vmem>> -> memref<1x128xi32, #tpu.memory_space<vmem>>
    %dma_start3A_99 = tpu.memref_squeeze %dma_start3A_98 : memref<1x128xi32, #tpu.memory_space<vmem>> -> memref<128xi32, #tpu.memory_space<vmem>>
    %dma_start3A_100 = arith.constant 0 : i32
    %dma_start3A_101 = arith.constant 0 : i32
    %dma_start3A_102 = tpu.memref_slice %arg3[%dma_start3A_100, %dma_start3A_101] : memref<1000000x64xf32, #tpu.memory_space<hbm>> -> memref<1000000x64xf32, #tpu.memory_space<hbm>>
    %dma_start3A_103 = tpu.memref_slice %arg7[%dma_start3A_92] : memref<8x!tpu.dma_semaphore, #tpu.memory_space<semaphore_mem>> -> memref<1x!tpu.dma_semaphore, #tpu.memory_space<semaphore_mem>>
    %dma_start3A_104 = tpu.memref_squeeze %dma_start3A_103 : memref<1x!tpu.dma_semaphore, #tpu.memory_space<semaphore_mem>> -> memref<!tpu.dma_semaphore, #tpu.memory_space<semaphore_mem>>
    tpu.enqueue_indirect_dma source(%dma_start3A_102 : memref<1000000x64xf32, #tpu.memory_space<hbm>>) target(%dma_start3A_96 : memref<128x64xf32, #tpu.memory_space<vmem>>) offsets(%dma_start3A_99 : memref<128xi32, #tpu.memory_space<vmem>>) semaphore(%dma_start3A_104 : memref<!tpu.dma_semaphore, #tpu.memory_space<semaphore_mem>>)
    %dma_start3A_105 = arith.constant 7 : i32
    %dma_start3A_106 = arith.constant 7 : i32
    %dma_start3A_107 = arith.constant 7 : i32
    %dma_start3A_108 = arith.constant 0 : i32
    %dma_start3A_109 = arith.constant 0 : i32
    %dma_start3A_110 = tpu.memref_slice %arg6[%dma_start3A_106, %dma_start3A_108, %dma_start3A_109] : memref<8x128x64xf32, #tpu.memory_space<vmem>> -> memref<1x128x64xf32, #tpu.memory_space<vmem>>
    %dma_start3A_111 = tpu.memref_squeeze %dma_start3A_110 : memref<1x128x64xf32, #tpu.memory_space<vmem>> -> memref<128x64xf32, #tpu.memory_space<vmem>>
    %dma_start3A_112 = arith.constant 0 : i32
    %dma_start3A_113 = tpu.memref_slice %arg5[%dma_start3A_105, %dma_start3A_112] : memref<80x128xi32, #tpu.memory_space<vmem>> -> memref<1x128xi32, #tpu.memory_space<vmem>>
    %dma_start3A_114 = tpu.memref_squeeze %dma_start3A_113 : memref<1x128xi32, #tpu.memory_space<vmem>> -> memref<128xi32, #tpu.memory_space<vmem>>
    %dma_start3A_115 = arith.constant 0 : i32
    %dma_start3A_116 = arith.constant 0 : i32
    %dma_start3A_117 = tpu.memref_slice %arg3[%dma_start3A_115, %dma_start3A_116] : memref<1000000x64xf32, #tpu.memory_space<hbm>> -> memref<1000000x64xf32, #tpu.memory_space<hbm>>
    %dma_start3A_118 = tpu.memref_slice %arg7[%dma_start3A_107] : memref<8x!tpu.dma_semaphore, #tpu.memory_space<semaphore_mem>> -> memref<1x!tpu.dma_semaphore, #tpu.memory_space<semaphore_mem>>
    %dma_start3A_119 = tpu.memref_squeeze %dma_start3A_118 : memref<1x!tpu.dma_semaphore, #tpu.memory_space<semaphore_mem>> -> memref<!tpu.dma_semaphore, #tpu.memory_space<semaphore_mem>>
    tpu.enqueue_indirect_dma source(%dma_start3A_117 : memref<1000000x64xf32, #tpu.memory_space<hbm>>) target(%dma_start3A_111 : memref<128x64xf32, #tpu.memory_space<vmem>>) offsets(%dma_start3A_114 : memref<128xi32, #tpu.memory_space<vmem>>) semaphore(%dma_start3A_119 : memref<!tpu.dma_semaphore, #tpu.memory_space<semaphore_mem>>)
    %scan3A = arith.constant 0 : i32
    %scan3A_120 = arith.constant 10 : i32
    %scan3A_121 = arith.addi %scan3A, %scan3A_120 : i32
    %scan3A_122 = arith.constant 1 : i32
    scf.for %scan3A_291 = %scan3A to %scan3A_121 step %scan3A_122  : i32 {
      %mul3A_292 = arith.constant 1 : i32
      %mul3A_293 = arith.muli %scan3A_291, %mul3A_292 : i32
      %add3A_294 = arith.constant 0 : i32
      %add3A_295 = arith.addi %add3A_294, %mul3A_293 : i32
      %mul3A_296 = arith.constant 8 : i32
      %mul3A_297 = arith.muli %add3A_295, %mul3A_296 : i32
      %dma_wait3A_298 = arith.constant 0 : i32
      %dma_wait3A_299 = arith.constant 0 : i32
      %dma_wait3A_300 = arith.constant 0 : i32
      %dma_wait3A_301 = arith.constant 0 : i32
      %dma_wait3A_302 = arith.constant 0 : i32
      %dma_wait3A_303 = tpu.memref_slice %arg6[%dma_wait3A_299, %dma_wait3A_301, %dma_wait3A_302] : memref<8x128x64xf32, #tpu.memory_space<vmem>> -> memref<1x128x64xf32, #tpu.memory_space<vmem>>
      %dma_wait3A_304 = tpu.memref_squeeze %dma_wait3A_303 : memref<1x128x64xf32, #tpu.memory_space<vmem>> -> memref<128x64xf32, #tpu.memory_space<vmem>>
      %dma_wait3A_305 = arith.constant 0 : i32
      %dma_wait3A_306 = tpu.memref_slice %arg5[%dma_wait3A_298, %dma_wait3A_305] : memref<80x128xi32, #tpu.memory_space<vmem>> -> memref<1x128xi32, #tpu.memory_space<vmem>>
      %dma_wait3A_307 = tpu.memref_squeeze %dma_wait3A_306 : memref<1x128xi32, #tpu.memory_space<vmem>> -> memref<128xi32, #tpu.memory_space<vmem>>
      %dma_wait3A_308 = arith.constant 0 : i32
      %dma_wait3A_309 = arith.constant 0 : i32
      %dma_wait3A_310 = tpu.memref_slice %arg3[%dma_wait3A_308, %dma_wait3A_309] : memref<1000000x64xf32, #tpu.memory_space<hbm>> -> memref<1000000x64xf32, #tpu.memory_space<hbm>>
      %dma_wait3A_311 = tpu.memref_slice %arg7[%dma_wait3A_300] : memref<8x!tpu.dma_semaphore, #tpu.memory_space<semaphore_mem>> -> memref<1x!tpu.dma_semaphore, #tpu.memory_space<semaphore_mem>>
      %dma_wait3A_312 = tpu.memref_squeeze %dma_wait3A_311 : memref<1x!tpu.dma_semaphore, #tpu.memory_space<semaphore_mem>> -> memref<!tpu.dma_semaphore, #tpu.memory_space<semaphore_mem>>
      tpu.wait_indirect_dma semaphore(%dma_wait3A_312 : memref<!tpu.dma_semaphore, #tpu.memory_space<semaphore_mem>>) src(%dma_wait3A_310 : memref<1000000x64xf32, #tpu.memory_space<hbm>>) dst(%dma_wait3A_304 : memref<128x64xf32, #tpu.memory_space<vmem>>)
      %add3A_313 = arith.constant 0 : i32
      %add3A_314 = arith.addi %mul3A_297, %add3A_313 : i32
      %dma_start3A_315 = arith.constant 0 : i32
      %dma_start3A_316 = arith.constant 0 : i32
      %dma_start3A_317 = arith.constant 0 : i32
      %dma_start3A_318 = arith.constant 0 : i32
      %dma_start3A_319 = tpu.memref_slice %arg6[%dma_start3A_315, %dma_start3A_317, %dma_start3A_318] : memref<8x128x64xf32, #tpu.memory_space<vmem>> -> memref<1x128x64xf32, #tpu.memory_space<vmem>>
      %dma_start3A_320 = tpu.memref_squeeze %dma_start3A_319 : memref<1x128x64xf32, #tpu.memory_space<vmem>> -> memref<128x64xf32, #tpu.memory_space<vmem>>
      %dma_start3A_321 = arith.constant 0 : i32
      %dma_start3A_322 = arith.constant 0 : i32
      %dma_start3A_323 = tpu.memref_slice %arg4[%add3A, %add3A_314, %dma_start3A_321, %dma_start3A_322] : memref<32x80x128x64xf32, #tpu.memory_space<hbm>> -> memref<1x1x128x64xf32, #tpu.memory_space<hbm>>
      %dma_start3A_324 = tpu.memref_squeeze %dma_start3A_323 : memref<1x1x128x64xf32, #tpu.memory_space<hbm>> -> memref<128x64xf32, #tpu.memory_space<hbm>>
      %dma_start3A_325 = tpu.memref_slice %arg8[%dma_start3A_316] : memref<8x!tpu.dma_semaphore, #tpu.memory_space<semaphore_mem>> -> memref<1x!tpu.dma_semaphore, #tpu.memory_space<semaphore_mem>>
      %dma_start3A_326 = tpu.memref_squeeze %dma_start3A_325 : memref<1x!tpu.dma_semaphore, #tpu.memory_space<semaphore_mem>> -> memref<!tpu.dma_semaphore, #tpu.memory_space<semaphore_mem>>
      %dma_start3A_327 = arith.constant 0 : i32
      %dma_start3A_328 = arith.constant 0 : i32
      %dma_start3A_329 = tpu.memref_slice %arg4[%add3A, %add3A_314, %dma_start3A_327, %dma_start3A_328] : memref<32x80x128x64xf32, #tpu.memory_space<hbm>> -> memref<1x1x128x64xf32, #tpu.memory_space<hbm>>
      %dma_start3A_330 = tpu.memref_squeeze %dma_start3A_329 : memref<1x1x128x64xf32, #tpu.memory_space<hbm>> -> memref<128x64xf32, #tpu.memory_space<hbm>>
      %dma_start3A_331 = arith.constant 0 : i32
      %dma_start3A_332 = arith.constant 0 : i32
      %dma_start3A_333 = tpu.memref_slice %arg6[%dma_start3A_315, %dma_start3A_331, %dma_start3A_332] : memref<8x128x64xf32, #tpu.memory_space<vmem>> -> memref<1x128x64xf32, #tpu.memory_space<vmem>>
      %dma_start3A_334 = tpu.memref_squeeze %dma_start3A_333 : memref<1x128x64xf32, #tpu.memory_space<vmem>> -> memref<128x64xf32, #tpu.memory_space<vmem>>
      tpu.enqueue_dma source(%dma_start3A_334 : memref<128x64xf32, #tpu.memory_space<vmem>>) target(%dma_start3A_330 : memref<128x64xf32, #tpu.memory_space<hbm>>) target_semaphore(%dma_start3A_326 : memref<!tpu.dma_semaphore, #tpu.memory_space<semaphore_mem>>)
      %dma_wait3A_335 = arith.constant 0 : i32
      %dma_wait3A_336 = arith.constant 1 : i32
      %dma_wait3A_337 = arith.constant 1 : i32
      %dma_wait3A_338 = arith.constant 0 : i32
      %dma_wait3A_339 = arith.constant 0 : i32
      %dma_wait3A_340 = tpu.memref_slice %arg6[%dma_wait3A_336, %dma_wait3A_338, %dma_wait3A_339] : memref<8x128x64xf32, #tpu.memory_space<vmem>> -> memref<1x128x64xf32, #tpu.memory_space<vmem>>
      %dma_wait3A_341 = tpu.memref_squeeze %dma_wait3A_340 : memref<1x128x64xf32, #tpu.memory_space<vmem>> -> memref<128x64xf32, #tpu.memory_space<vmem>>
      %dma_wait3A_342 = arith.constant 0 : i32
      %dma_wait3A_343 = tpu.memref_slice %arg5[%dma_wait3A_335, %dma_wait3A_342] : memref<80x128xi32, #tpu.memory_space<vmem>> -> memref<1x128xi32, #tpu.memory_space<vmem>>
      %dma_wait3A_344 = tpu.memref_squeeze %dma_wait3A_343 : memref<1x128xi32, #tpu.memory_space<vmem>> -> memref<128xi32, #tpu.memory_space<vmem>>
      %dma_wait3A_345 = arith.constant 0 : i32
      %dma_wait3A_346 = arith.constant 0 : i32
      %dma_wait3A_347 = tpu.memref_slice %arg3[%dma_wait3A_345, %dma_wait3A_346] : memref<1000000x64xf32, #tpu.memory_space<hbm>> -> memref<1000000x64xf32, #tpu.memory_space<hbm>>
      %dma_wait3A_348 = tpu.memref_slice %arg7[%dma_wait3A_337] : memref<8x!tpu.dma_semaphore, #tpu.memory_space<semaphore_mem>> -> memref<1x!tpu.dma_semaphore, #tpu.memory_space<semaphore_mem>>
      %dma_wait3A_349 = tpu.memref_squeeze %dma_wait3A_348 : memref<1x!tpu.dma_semaphore, #tpu.memory_space<semaphore_mem>> -> memref<!tpu.dma_semaphore, #tpu.memory_space<semaphore_mem>>
      tpu.wait_indirect_dma semaphore(%dma_wait3A_349 : memref<!tpu.dma_semaphore, #tpu.memory_space<semaphore_mem>>) src(%dma_wait3A_347 : memref<1000000x64xf32, #tpu.memory_space<hbm>>) dst(%dma_wait3A_341 : memref<128x64xf32, #tpu.memory_space<vmem>>)
      %add3A_350 = arith.constant 1 : i32
      %add3A_351 = arith.addi %mul3A_297, %add3A_350 : i32
      %dma_start3A_352 = arith.constant 1 : i32
      %dma_start3A_353 = arith.constant 1 : i32
      %dma_start3A_354 = arith.constant 0 : i32
      %dma_start3A_355 = arith.constant 0 : i32
      %dma_start3A_356 = tpu.memref_slice %arg6[%dma_start3A_352, %dma_start3A_354, %dma_start3A_355] : memref<8x128x64xf32, #tpu.memory_space<vmem>> -> memref<1x128x64xf32, #tpu.memory_space<vmem>>
      %dma_start3A_357 = tpu.memref_squeeze %dma_start3A_356 : memref<1x128x64xf32, #tpu.memory_space<vmem>> -> memref<128x64xf32, #tpu.memory_space<vmem>>
      %dma_start3A_358 = arith.constant 0 : i32
      %dma_start3A_359 = arith.constant 0 : i32
      %dma_start3A_360 = tpu.memref_slice %arg4[%add3A, %add3A_351, %dma_start3A_358, %dma_start3A_359] : memref<32x80x128x64xf32, #tpu.memory_space<hbm>> -> memref<1x1x128x64xf32, #tpu.memory_space<hbm>>
      %dma_start3A_361 = tpu.memref_squeeze %dma_start3A_360 : memref<1x1x128x64xf32, #tpu.memory_space<hbm>> -> memref<128x64xf32, #tpu.memory_space<hbm>>
      %dma_start3A_362 = tpu.memref_slice %arg8[%dma_start3A_353] : memref<8x!tpu.dma_semaphore, #tpu.memory_space<semaphore_mem>> -> memref<1x!tpu.dma_semaphore, #tpu.memory_space<semaphore_mem>>
      %dma_start3A_363 = tpu.memref_squeeze %dma_start3A_362 : memref<1x!tpu.dma_semaphore, #tpu.memory_space<semaphore_mem>> -> memref<!tpu.dma_semaphore, #tpu.memory_space<semaphore_mem>>
      %dma_start3A_364 = arith.constant 0 : i32
      %dma_start3A_365 = arith.constant 0 : i32
      %dma_start3A_366 = tpu.memref_slice %arg4[%add3A, %add3A_351, %dma_start3A_364, %dma_start3A_365] : memref<32x80x128x64xf32, #tpu.memory_space<hbm>> -> memref<1x1x128x64xf32, #tpu.memory_space<hbm>>
      %dma_start3A_367 = tpu.memref_squeeze %dma_start3A_366 : memref<1x1x128x64xf32, #tpu.memory_space<hbm>> -> memref<128x64xf32, #tpu.memory_space<hbm>>
      %dma_start3A_368 = arith.constant 0 : i32
      %dma_start3A_369 = arith.constant 0 : i32
      %dma_start3A_370 = tpu.memref_slice %arg6[%dma_start3A_352, %dma_start3A_368, %dma_start3A_369] : memref<8x128x64xf32, #tpu.memory_space<vmem>> -> memref<1x128x64xf32, #tpu.memory_space<vmem>>
      %dma_start3A_371 = tpu.memref_squeeze %dma_start3A_370 : memref<1x128x64xf32, #tpu.memory_space<vmem>> -> memref<128x64xf32, #tpu.memory_space<vmem>>
      tpu.enqueue_dma source(%dma_start3A_371 : memref<128x64xf32, #tpu.memory_space<vmem>>) target(%dma_start3A_367 : memref<128x64xf32, #tpu.memory_space<hbm>>) target_semaphore(%dma_start3A_363 : memref<!tpu.dma_semaphore, #tpu.memory_space<semaphore_mem>>)
      %dma_wait3A_372 = arith.constant 0 : i32
      %dma_wait3A_373 = arith.constant 2 : i32
      %dma_wait3A_374 = arith.constant 2 : i32
      %dma_wait3A_375 = arith.constant 0 : i32
      %dma_wait3A_376 = arith.constant 0 : i32
      %dma_wait3A_377 = tpu.memref_slice %arg6[%dma_wait3A_373, %dma_wait3A_375, %dma_wait3A_376] : memref<8x128x64xf32, #tpu.memory_space<vmem>> -> memref<1x128x64xf32, #tpu.memory_space<vmem>>
      %dma_wait3A_378 = tpu.memref_squeeze %dma_wait3A_377 : memref<1x128x64xf32, #tpu.memory_space<vmem>> -> memref<128x64xf32, #tpu.memory_space<vmem>>
      %dma_wait3A_379 = arith.constant 0 : i32
      %dma_wait3A_380 = tpu.memref_slice %arg5[%dma_wait3A_372, %dma_wait3A_379] : memref<80x128xi32, #tpu.memory_space<vmem>> -> memref<1x128xi32, #tpu.memory_space<vmem>>
      %dma_wait3A_381 = tpu.memref_squeeze %dma_wait3A_380 : memref<1x128xi32, #tpu.memory_space<vmem>> -> memref<128xi32, #tpu.memory_space<vmem>>
      %dma_wait3A_382 = arith.constant 0 : i32
      %dma_wait3A_383 = arith.constant 0 : i32
      %dma_wait3A_384 = tpu.memref_slice %arg3[%dma_wait3A_382, %dma_wait3A_383] : memref<1000000x64xf32, #tpu.memory_space<hbm>> -> memref<1000000x64xf32, #tpu.memory_space<hbm>>
      %dma_wait3A_385 = tpu.memref_slice %arg7[%dma_wait3A_374] : memref<8x!tpu.dma_semaphore, #tpu.memory_space<semaphore_mem>> -> memref<1x!tpu.dma_semaphore, #tpu.memory_space<semaphore_mem>>
      %dma_wait3A_386 = tpu.memref_squeeze %dma_wait3A_385 : memref<1x!tpu.dma_semaphore, #tpu.memory_space<semaphore_mem>> -> memref<!tpu.dma_semaphore, #tpu.memory_space<semaphore_mem>>
      tpu.wait_indirect_dma semaphore(%dma_wait3A_386 : memref<!tpu.dma_semaphore, #tpu.memory_space<semaphore_mem>>) src(%dma_wait3A_384 : memref<1000000x64xf32, #tpu.memory_space<hbm>>) dst(%dma_wait3A_378 : memref<128x64xf32, #tpu.memory_space<vmem>>)
      %add3A_387 = arith.constant 2 : i32
      %add3A_388 = arith.addi %mul3A_297, %add3A_387 : i32
      %dma_start3A_389 = arith.constant 2 : i32
      %dma_start3A_390 = arith.constant 2 : i32
      %dma_start3A_391 = arith.constant 0 : i32
      %dma_start3A_392 = arith.constant 0 : i32
      %dma_start3A_393 = tpu.memref_slice %arg6[%dma_start3A_389, %dma_start3A_391, %dma_start3A_392] : memref<8x128x64xf32, #tpu.memory_space<vmem>> -> memref<1x128x64xf32, #tpu.memory_space<vmem>>
      %dma_start3A_394 = tpu.memref_squeeze %dma_start3A_393 : memref<1x128x64xf32, #tpu.memory_space<vmem>> -> memref<128x64xf32, #tpu.memory_space<vmem>>
      %dma_start3A_395 = arith.constant 0 : i32
      %dma_start3A_396 = arith.constant 0 : i32
      %dma_start3A_397 = tpu.memref_slice %arg4[%add3A, %add3A_388, %dma_start3A_395, %dma_start3A_396] : memref<32x80x128x64xf32, #tpu.memory_space<hbm>> -> memref<1x1x128x64xf32, #tpu.memory_space<hbm>>
      %dma_start3A_398 = tpu.memref_squeeze %dma_start3A_397 : memref<1x1x128x64xf32, #tpu.memory_space<hbm>> -> memref<128x64xf32, #tpu.memory_space<hbm>>
      %dma_start3A_399 = tpu.memref_slice %arg8[%dma_start3A_390] : memref<8x!tpu.dma_semaphore, #tpu.memory_space<semaphore_mem>> -> memref<1x!tpu.dma_semaphore, #tpu.memory_space<semaphore_mem>>
      %dma_start3A_400 = tpu.memref_squeeze %dma_start3A_399 : memref<1x!tpu.dma_semaphore, #tpu.memory_space<semaphore_mem>> -> memref<!tpu.dma_semaphore, #tpu.memory_space<semaphore_mem>>
      %dma_start3A_401 = arith.constant 0 : i32
      %dma_start3A_402 = arith.constant 0 : i32
      %dma_start3A_403 = tpu.memref_slice %arg4[%add3A, %add3A_388, %dma_start3A_401, %dma_start3A_402] : memref<32x80x128x64xf32, #tpu.memory_space<hbm>> -> memref<1x1x128x64xf32, #tpu.memory_space<hbm>>
      %dma_start3A_404 = tpu.memref_squeeze %dma_start3A_403 : memref<1x1x128x64xf32, #tpu.memory_space<hbm>> -> memref<128x64xf32, #tpu.memory_space<hbm>>
      %dma_start3A_405 = arith.constant 0 : i32
      %dma_start3A_406 = arith.constant 0 : i32
      %dma_start3A_407 = tpu.memref_slice %arg6[%dma_start3A_389, %dma_start3A_405, %dma_start3A_406] : memref<8x128x64xf32, #tpu.memory_space<vmem>> -> memref<1x128x64xf32, #tpu.memory_space<vmem>>
      %dma_start3A_408 = tpu.memref_squeeze %dma_start3A_407 : memref<1x128x64xf32, #tpu.memory_space<vmem>> -> memref<128x64xf32, #tpu.memory_space<vmem>>
      tpu.enqueue_dma source(%dma_start3A_408 : memref<128x64xf32, #tpu.memory_space<vmem>>) target(%dma_start3A_404 : memref<128x64xf32, #tpu.memory_space<hbm>>) target_semaphore(%dma_start3A_400 : memref<!tpu.dma_semaphore, #tpu.memory_space<semaphore_mem>>)
      %dma_wait3A_409 = arith.constant 0 : i32
      %dma_wait3A_410 = arith.constant 3 : i32
      %dma_wait3A_411 = arith.constant 3 : i32
      %dma_wait3A_412 = arith.constant 0 : i32
      %dma_wait3A_413 = arith.constant 0 : i32
      %dma_wait3A_414 = tpu.memref_slice %arg6[%dma_wait3A_410, %dma_wait3A_412, %dma_wait3A_413] : memref<8x128x64xf32, #tpu.memory_space<vmem>> -> memref<1x128x64xf32, #tpu.memory_space<vmem>>
      %dma_wait3A_415 = tpu.memref_squeeze %dma_wait3A_414 : memref<1x128x64xf32, #tpu.memory_space<vmem>> -> memref<128x64xf32, #tpu.memory_space<vmem>>
      %dma_wait3A_416 = arith.constant 0 : i32
      %dma_wait3A_417 = tpu.memref_slice %arg5[%dma_wait3A_409, %dma_wait3A_416] : memref<80x128xi32, #tpu.memory_space<vmem>> -> memref<1x128xi32, #tpu.memory_space<vmem>>
      %dma_wait3A_418 = tpu.memref_squeeze %dma_wait3A_417 : memref<1x128xi32, #tpu.memory_space<vmem>> -> memref<128xi32, #tpu.memory_space<vmem>>
      %dma_wait3A_419 = arith.constant 0 : i32
      %dma_wait3A_420 = arith.constant 0 : i32
      %dma_wait3A_421 = tpu.memref_slice %arg3[%dma_wait3A_419, %dma_wait3A_420] : memref<1000000x64xf32, #tpu.memory_space<hbm>> -> memref<1000000x64xf32, #tpu.memory_space<hbm>>
      %dma_wait3A_422 = tpu.memref_slice %arg7[%dma_wait3A_411] : memref<8x!tpu.dma_semaphore, #tpu.memory_space<semaphore_mem>> -> memref<1x!tpu.dma_semaphore, #tpu.memory_space<semaphore_mem>>
      %dma_wait3A_423 = tpu.memref_squeeze %dma_wait3A_422 : memref<1x!tpu.dma_semaphore, #tpu.memory_space<semaphore_mem>> -> memref<!tpu.dma_semaphore, #tpu.memory_space<semaphore_mem>>
      tpu.wait_indirect_dma semaphore(%dma_wait3A_423 : memref<!tpu.dma_semaphore, #tpu.memory_space<semaphore_mem>>) src(%dma_wait3A_421 : memref<1000000x64xf32, #tpu.memory_space<hbm>>) dst(%dma_wait3A_415 : memref<128x64xf32, #tpu.memory_space<vmem>>)
      %add3A_424 = arith.constant 3 : i32
      %add3A_425 = arith.addi %mul3A_297, %add3A_424 : i32
      %dma_start3A_426 = arith.constant 3 : i32
      %dma_start3A_427 = arith.constant 3 : i32
      %dma_start3A_428 = arith.constant 0 : i32
      %dma_start3A_429 = arith.constant 0 : i32
      %dma_start3A_430 = tpu.memref_slice %arg6[%dma_start3A_426, %dma_start3A_428, %dma_start3A_429] : memref<8x128x64xf32, #tpu.memory_space<vmem>> -> memref<1x128x64xf32, #tpu.memory_space<vmem>>
      %dma_start3A_431 = tpu.memref_squeeze %dma_start3A_430 : memref<1x128x64xf32, #tpu.memory_space<vmem>> -> memref<128x64xf32, #tpu.memory_space<vmem>>
      %dma_start3A_432 = arith.constant 0 : i32
      %dma_start3A_433 = arith.constant 0 : i32
      %dma_start3A_434 = tpu.memref_slice %arg4[%add3A, %add3A_425, %dma_start3A_432, %dma_start3A_433] : memref<32x80x128x64xf32, #tpu.memory_space<hbm>> -> memref<1x1x128x64xf32, #tpu.memory_space<hbm>>
      %dma_start3A_435 = tpu.memref_squeeze %dma_start3A_434 : memref<1x1x128x64xf32, #tpu.memory_space<hbm>> -> memref<128x64xf32, #tpu.memory_space<hbm>>
      %dma_start3A_436 = tpu.memref_slice %arg8[%dma_start3A_427] : memref<8x!tpu.dma_semaphore, #tpu.memory_space<semaphore_mem>> -> memref<1x!tpu.dma_semaphore, #tpu.memory_space<semaphore_mem>>
      %dma_start3A_437 = tpu.memref_squeeze %dma_start3A_436 : memref<1x!tpu.dma_semaphore, #tpu.memory_space<semaphore_mem>> -> memref<!tpu.dma_semaphore, #tpu.memory_space<semaphore_mem>>
      %dma_start3A_438 = arith.constant 0 : i32
      %dma_start3A_439 = arith.constant 0 : i32
      %dma_start3A_440 = tpu.memref_slice %arg4[%add3A, %add3A_425, %dma_start3A_438, %dma_start3A_439] : memref<32x80x128x64xf32, #tpu.memory_space<hbm>> -> memref<1x1x128x64xf32, #tpu.memory_space<hbm>>
      %dma_start3A_441 = tpu.memref_squeeze %dma_start3A_440 : memref<1x1x128x64xf32, #tpu.memory_space<hbm>> -> memref<128x64xf32, #tpu.memory_space<hbm>>
      %dma_start3A_442 = arith.constant 0 : i32
      %dma_start3A_443 = arith.constant 0 : i32
      %dma_start3A_444 = tpu.memref_slice %arg6[%dma_start3A_426, %dma_start3A_442, %dma_start3A_443] : memref<8x128x64xf32, #tpu.memory_space<vmem>> -> memref<1x128x64xf32, #tpu.memory_space<vmem>>
      %dma_start3A_445 = tpu.memref_squeeze %dma_start3A_444 : memref<1x128x64xf32, #tpu.memory_space<vmem>> -> memref<128x64xf32, #tpu.memory_space<vmem>>
      tpu.enqueue_dma source(%dma_start3A_445 : memref<128x64xf32, #tpu.memory_space<vmem>>) target(%dma_start3A_441 : memref<128x64xf32, #tpu.memory_space<hbm>>) target_semaphore(%dma_start3A_437 : memref<!tpu.dma_semaphore, #tpu.memory_space<semaphore_mem>>)
      %dma_wait3A_446 = arith.constant 0 : i32
      %dma_wait3A_447 = arith.constant 4 : i32
      %dma_wait3A_448 = arith.constant 4 : i32
      %dma_wait3A_449 = arith.constant 0 : i32
      %dma_wait3A_450 = arith.constant 0 : i32
      %dma_wait3A_451 = tpu.memref_slice %arg6[%dma_wait3A_447, %dma_wait3A_449, %dma_wait3A_450] : memref<8x128x64xf32, #tpu.memory_space<vmem>> -> memref<1x128x64xf32, #tpu.memory_space<vmem>>
      %dma_wait3A_452 = tpu.memref_squeeze %dma_wait3A_451 : memref<1x128x64xf32, #tpu.memory_space<vmem>> -> memref<128x64xf32, #tpu.memory_space<vmem>>
      %dma_wait3A_453 = arith.constant 0 : i32
      %dma_wait3A_454 = tpu.memref_slice %arg5[%dma_wait3A_446, %dma_wait3A_453] : memref<80x128xi32, #tpu.memory_space<vmem>> -> memref<1x128xi32, #tpu.memory_space<vmem>>
      %dma_wait3A_455 = tpu.memref_squeeze %dma_wait3A_454 : memref<1x128xi32, #tpu.memory_space<vmem>> -> memref<128xi32, #tpu.memory_space<vmem>>
      %dma_wait3A_456 = arith.constant 0 : i32
      %dma_wait3A_457 = arith.constant 0 : i32
      %dma_wait3A_458 = tpu.memref_slice %arg3[%dma_wait3A_456, %dma_wait3A_457] : memref<1000000x64xf32, #tpu.memory_space<hbm>> -> memref<1000000x64xf32, #tpu.memory_space<hbm>>
      %dma_wait3A_459 = tpu.memref_slice %arg7[%dma_wait3A_448] : memref<8x!tpu.dma_semaphore, #tpu.memory_space<semaphore_mem>> -> memref<1x!tpu.dma_semaphore, #tpu.memory_space<semaphore_mem>>
      %dma_wait3A_460 = tpu.memref_squeeze %dma_wait3A_459 : memref<1x!tpu.dma_semaphore, #tpu.memory_space<semaphore_mem>> -> memref<!tpu.dma_semaphore, #tpu.memory_space<semaphore_mem>>
      tpu.wait_indirect_dma semaphore(%dma_wait3A_460 : memref<!tpu.dma_semaphore, #tpu.memory_space<semaphore_mem>>) src(%dma_wait3A_458 : memref<1000000x64xf32, #tpu.memory_space<hbm>>) dst(%dma_wait3A_452 : memref<128x64xf32, #tpu.memory_space<vmem>>)
      %add3A_461 = arith.constant 4 : i32
      %add3A_462 = arith.addi %mul3A_297, %add3A_461 : i32
      %dma_start3A_463 = arith.constant 4 : i32
      %dma_start3A_464 = arith.constant 4 : i32
      %dma_start3A_465 = arith.constant 0 : i32
      %dma_start3A_466 = arith.constant 0 : i32
      %dma_start3A_467 = tpu.memref_slice %arg6[%dma_start3A_463, %dma_start3A_465, %dma_start3A_466] : memref<8x128x64xf32, #tpu.memory_space<vmem>> -> memref<1x128x64xf32, #tpu.memory_space<vmem>>
      %dma_start3A_468 = tpu.memref_squeeze %dma_start3A_467 : memref<1x128x64xf32, #tpu.memory_space<vmem>> -> memref<128x64xf32, #tpu.memory_space<vmem>>
      %dma_start3A_469 = arith.constant 0 : i32
      %dma_start3A_470 = arith.constant 0 : i32
      %dma_start3A_471 = tpu.memref_slice %arg4[%add3A, %add3A_462, %dma_start3A_469, %dma_start3A_470] : memref<32x80x128x64xf32, #tpu.memory_space<hbm>> -> memref<1x1x128x64xf32, #tpu.memory_space<hbm>>
      %dma_start3A_472 = tpu.memref_squeeze %dma_start3A_471 : memref<1x1x128x64xf32, #tpu.memory_space<hbm>> -> memref<128x64xf32, #tpu.memory_space<hbm>>
      %dma_start3A_473 = tpu.memref_slice %arg8[%dma_start3A_464] : memref<8x!tpu.dma_semaphore, #tpu.memory_space<semaphore_mem>> -> memref<1x!tpu.dma_semaphore, #tpu.memory_space<semaphore_mem>>
      %dma_start3A_474 = tpu.memref_squeeze %dma_start3A_473 : memref<1x!tpu.dma_semaphore, #tpu.memory_space<semaphore_mem>> -> memref<!tpu.dma_semaphore, #tpu.memory_space<semaphore_mem>>
      %dma_start3A_475 = arith.constant 0 : i32
      %dma_start3A_476 = arith.constant 0 : i32
      %dma_start3A_477 = tpu.memref_slice %arg4[%add3A, %add3A_462, %dma_start3A_475, %dma_start3A_476] : memref<32x80x128x64xf32, #tpu.memory_space<hbm>> -> memref<1x1x128x64xf32, #tpu.memory_space<hbm>>
      %dma_start3A_478 = tpu.memref_squeeze %dma_start3A_477 : memref<1x1x128x64xf32, #tpu.memory_space<hbm>> -> memref<128x64xf32, #tpu.memory_space<hbm>>
      %dma_start3A_479 = arith.constant 0 : i32
      %dma_start3A_480 = arith.constant 0 : i32
      %dma_start3A_481 = tpu.memref_slice %arg6[%dma_start3A_463, %dma_start3A_479, %dma_start3A_480] : memref<8x128x64xf32, #tpu.memory_space<vmem>> -> memref<1x128x64xf32, #tpu.memory_space<vmem>>
      %dma_start3A_482 = tpu.memref_squeeze %dma_start3A_481 : memref<1x128x64xf32, #tpu.memory_space<vmem>> -> memref<128x64xf32, #tpu.memory_space<vmem>>
      tpu.enqueue_dma source(%dma_start3A_482 : memref<128x64xf32, #tpu.memory_space<vmem>>) target(%dma_start3A_478 : memref<128x64xf32, #tpu.memory_space<hbm>>) target_semaphore(%dma_start3A_474 : memref<!tpu.dma_semaphore, #tpu.memory_space<semaphore_mem>>)
      %dma_wait3A_483 = arith.constant 0 : i32
      %dma_wait3A_484 = arith.constant 5 : i32
      %dma_wait3A_485 = arith.constant 5 : i32
      %dma_wait3A_486 = arith.constant 0 : i32
      %dma_wait3A_487 = arith.constant 0 : i32
      %dma_wait3A_488 = tpu.memref_slice %arg6[%dma_wait3A_484, %dma_wait3A_486, %dma_wait3A_487] : memref<8x128x64xf32, #tpu.memory_space<vmem>> -> memref<1x128x64xf32, #tpu.memory_space<vmem>>
      %dma_wait3A_489 = tpu.memref_squeeze %dma_wait3A_488 : memref<1x128x64xf32, #tpu.memory_space<vmem>> -> memref<128x64xf32, #tpu.memory_space<vmem>>
      %dma_wait3A_490 = arith.constant 0 : i32
      %dma_wait3A_491 = tpu.memref_slice %arg5[%dma_wait3A_483, %dma_wait3A_490] : memref<80x128xi32, #tpu.memory_space<vmem>> -> memref<1x128xi32, #tpu.memory_space<vmem>>
      %dma_wait3A_492 = tpu.memref_squeeze %dma_wait3A_491 : memref<1x128xi32, #tpu.memory_space<vmem>> -> memref<128xi32, #tpu.memory_space<vmem>>
      %dma_wait3A_493 = arith.constant 0 : i32
      %dma_wait3A_494 = arith.constant 0 : i32
      %dma_wait3A_495 = tpu.memref_slice %arg3[%dma_wait3A_493, %dma_wait3A_494] : memref<1000000x64xf32, #tpu.memory_space<hbm>> -> memref<1000000x64xf32, #tpu.memory_space<hbm>>
      %dma_wait3A_496 = tpu.memref_slice %arg7[%dma_wait3A_485] : memref<8x!tpu.dma_semaphore, #tpu.memory_space<semaphore_mem>> -> memref<1x!tpu.dma_semaphore, #tpu.memory_space<semaphore_mem>>
      %dma_wait3A_497 = tpu.memref_squeeze %dma_wait3A_496 : memref<1x!tpu.dma_semaphore, #tpu.memory_space<semaphore_mem>> -> memref<!tpu.dma_semaphore, #tpu.memory_space<semaphore_mem>>
      tpu.wait_indirect_dma semaphore(%dma_wait3A_497 : memref<!tpu.dma_semaphore, #tpu.memory_space<semaphore_mem>>) src(%dma_wait3A_495 : memref<1000000x64xf32, #tpu.memory_space<hbm>>) dst(%dma_wait3A_489 : memref<128x64xf32, #tpu.memory_space<vmem>>)
      %add3A_498 = arith.constant 5 : i32
      %add3A_499 = arith.addi %mul3A_297, %add3A_498 : i32
      %dma_start3A_500 = arith.constant 5 : i32
      %dma_start3A_501 = arith.constant 5 : i32
      %dma_start3A_502 = arith.constant 0 : i32
      %dma_start3A_503 = arith.constant 0 : i32
      %dma_start3A_504 = tpu.memref_slice %arg6[%dma_start3A_500, %dma_start3A_502, %dma_start3A_503] : memref<8x128x64xf32, #tpu.memory_space<vmem>> -> memref<1x128x64xf32, #tpu.memory_space<vmem>>
      %dma_start3A_505 = tpu.memref_squeeze %dma_start3A_504 : memref<1x128x64xf32, #tpu.memory_space<vmem>> -> memref<128x64xf32, #tpu.memory_space<vmem>>
      %dma_start3A_506 = arith.constant 0 : i32
      %dma_start3A_507 = arith.constant 0 : i32
      %dma_start3A_508 = tpu.memref_slice %arg4[%add3A, %add3A_499, %dma_start3A_506, %dma_start3A_507] : memref<32x80x128x64xf32, #tpu.memory_space<hbm>> -> memref<1x1x128x64xf32, #tpu.memory_space<hbm>>
      %dma_start3A_509 = tpu.memref_squeeze %dma_start3A_508 : memref<1x1x128x64xf32, #tpu.memory_space<hbm>> -> memref<128x64xf32, #tpu.memory_space<hbm>>
      %dma_start3A_510 = tpu.memref_slice %arg8[%dma_start3A_501] : memref<8x!tpu.dma_semaphore, #tpu.memory_space<semaphore_mem>> -> memref<1x!tpu.dma_semaphore, #tpu.memory_space<semaphore_mem>>
      %dma_start3A_511 = tpu.memref_squeeze %dma_start3A_510 : memref<1x!tpu.dma_semaphore, #tpu.memory_space<semaphore_mem>> -> memref<!tpu.dma_semaphore, #tpu.memory_space<semaphore_mem>>
      %dma_start3A_512 = arith.constant 0 : i32
      %dma_start3A_513 = arith.constant 0 : i32
      %dma_start3A_514 = tpu.memref_slice %arg4[%add3A, %add3A_499, %dma_start3A_512, %dma_start3A_513] : memref<32x80x128x64xf32, #tpu.memory_space<hbm>> -> memref<1x1x128x64xf32, #tpu.memory_space<hbm>>
      %dma_start3A_515 = tpu.memref_squeeze %dma_start3A_514 : memref<1x1x128x64xf32, #tpu.memory_space<hbm>> -> memref<128x64xf32, #tpu.memory_space<hbm>>
      %dma_start3A_516 = arith.constant 0 : i32
      %dma_start3A_517 = arith.constant 0 : i32
      %dma_start3A_518 = tpu.memref_slice %arg6[%dma_start3A_500, %dma_start3A_516, %dma_start3A_517] : memref<8x128x64xf32, #tpu.memory_space<vmem>> -> memref<1x128x64xf32, #tpu.memory_space<vmem>>
      %dma_start3A_519 = tpu.memref_squeeze %dma_start3A_518 : memref<1x128x64xf32, #tpu.memory_space<vmem>> -> memref<128x64xf32, #tpu.memory_space<vmem>>
      tpu.enqueue_dma source(%dma_start3A_519 : memref<128x64xf32, #tpu.memory_space<vmem>>) target(%dma_start3A_515 : memref<128x64xf32, #tpu.memory_space<hbm>>) target_semaphore(%dma_start3A_511 : memref<!tpu.dma_semaphore, #tpu.memory_space<semaphore_mem>>)
      %dma_wait3A_520 = arith.constant 0 : i32
      %dma_wait3A_521 = arith.constant 6 : i32
      %dma_wait3A_522 = arith.constant 6 : i32
      %dma_wait3A_523 = arith.constant 0 : i32
      %dma_wait3A_524 = arith.constant 0 : i32
      %dma_wait3A_525 = tpu.memref_slice %arg6[%dma_wait3A_521, %dma_wait3A_523, %dma_wait3A_524] : memref<8x128x64xf32, #tpu.memory_space<vmem>> -> memref<1x128x64xf32, #tpu.memory_space<vmem>>
      %dma_wait3A_526 = tpu.memref_squeeze %dma_wait3A_525 : memref<1x128x64xf32, #tpu.memory_space<vmem>> -> memref<128x64xf32, #tpu.memory_space<vmem>>
      %dma_wait3A_527 = arith.constant 0 : i32
      %dma_wait3A_528 = tpu.memref_slice %arg5[%dma_wait3A_520, %dma_wait3A_527] : memref<80x128xi32, #tpu.memory_space<vmem>> -> memref<1x128xi32, #tpu.memory_space<vmem>>
      %dma_wait3A_529 = tpu.memref_squeeze %dma_wait3A_528 : memref<1x128xi32, #tpu.memory_space<vmem>> -> memref<128xi32, #tpu.memory_space<vmem>>
      %dma_wait3A_530 = arith.constant 0 : i32
      %dma_wait3A_531 = arith.constant 0 : i32
      %dma_wait3A_532 = tpu.memref_slice %arg3[%dma_wait3A_530, %dma_wait3A_531] : memref<1000000x64xf32, #tpu.memory_space<hbm>> -> memref<1000000x64xf32, #tpu.memory_space<hbm>>
      %dma_wait3A_533 = tpu.memref_slice %arg7[%dma_wait3A_522] : memref<8x!tpu.dma_semaphore, #tpu.memory_space<semaphore_mem>> -> memref<1x!tpu.dma_semaphore, #tpu.memory_space<semaphore_mem>>
      %dma_wait3A_534 = tpu.memref_squeeze %dma_wait3A_533 : memref<1x!tpu.dma_semaphore, #tpu.memory_space<semaphore_mem>> -> memref<!tpu.dma_semaphore, #tpu.memory_space<semaphore_mem>>
      tpu.wait_indirect_dma semaphore(%dma_wait3A_534 : memref<!tpu.dma_semaphore, #tpu.memory_space<semaphore_mem>>) src(%dma_wait3A_532 : memref<1000000x64xf32, #tpu.memory_space<hbm>>) dst(%dma_wait3A_526 : memref<128x64xf32, #tpu.memory_space<vmem>>)
      %add3A_535 = arith.constant 6 : i32
      %add3A_536 = arith.addi %mul3A_297, %add3A_535 : i32
      %dma_start3A_537 = arith.constant 6 : i32
      %dma_start3A_538 = arith.constant 6 : i32
      %dma_start3A_539 = arith.constant 0 : i32
      %dma_start3A_540 = arith.constant 0 : i32
      %dma_start3A_541 = tpu.memref_slice %arg6[%dma_start3A_537, %dma_start3A_539, %dma_start3A_540] : memref<8x128x64xf32, #tpu.memory_space<vmem>> -> memref<1x128x64xf32, #tpu.memory_space<vmem>>
      %dma_start3A_542 = tpu.memref_squeeze %dma_start3A_541 : memref<1x128x64xf32, #tpu.memory_space<vmem>> -> memref<128x64xf32, #tpu.memory_space<vmem>>
      %dma_start3A_543 = arith.constant 0 : i32
      %dma_start3A_544 = arith.constant 0 : i32
      %dma_start3A_545 = tpu.memref_slice %arg4[%add3A, %add3A_536, %dma_start3A_543, %dma_start3A_544] : memref<32x80x128x64xf32, #tpu.memory_space<hbm>> -> memref<1x1x128x64xf32, #tpu.memory_space<hbm>>
      %dma_start3A_546 = tpu.memref_squeeze %dma_start3A_545 : memref<1x1x128x64xf32, #tpu.memory_space<hbm>> -> memref<128x64xf32, #tpu.memory_space<hbm>>
      %dma_start3A_547 = tpu.memref_slice %arg8[%dma_start3A_538] : memref<8x!tpu.dma_semaphore, #tpu.memory_space<semaphore_mem>> -> memref<1x!tpu.dma_semaphore, #tpu.memory_space<semaphore_mem>>
      %dma_start3A_548 = tpu.memref_squeeze %dma_start3A_547 : memref<1x!tpu.dma_semaphore, #tpu.memory_space<semaphore_mem>> -> memref<!tpu.dma_semaphore, #tpu.memory_space<semaphore_mem>>
      %dma_start3A_549 = arith.constant 0 : i32
      %dma_start3A_550 = arith.constant 0 : i32
      %dma_start3A_551 = tpu.memref_slice %arg4[%add3A, %add3A_536, %dma_start3A_549, %dma_start3A_550] : memref<32x80x128x64xf32, #tpu.memory_space<hbm>> -> memref<1x1x128x64xf32, #tpu.memory_space<hbm>>
      %dma_start3A_552 = tpu.memref_squeeze %dma_start3A_551 : memref<1x1x128x64xf32, #tpu.memory_space<hbm>> -> memref<128x64xf32, #tpu.memory_space<hbm>>
      %dma_start3A_553 = arith.constant 0 : i32
      %dma_start3A_554 = arith.constant 0 : i32
      %dma_start3A_555 = tpu.memref_slice %arg6[%dma_start3A_537, %dma_start3A_553, %dma_start3A_554] : memref<8x128x64xf32, #tpu.memory_space<vmem>> -> memref<1x128x64xf32, #tpu.memory_space<vmem>>
      %dma_start3A_556 = tpu.memref_squeeze %dma_start3A_555 : memref<1x128x64xf32, #tpu.memory_space<vmem>> -> memref<128x64xf32, #tpu.memory_space<vmem>>
      tpu.enqueue_dma source(%dma_start3A_556 : memref<128x64xf32, #tpu.memory_space<vmem>>) target(%dma_start3A_552 : memref<128x64xf32, #tpu.memory_space<hbm>>) target_semaphore(%dma_start3A_548 : memref<!tpu.dma_semaphore, #tpu.memory_space<semaphore_mem>>)
      %dma_wait3A_557 = arith.constant 0 : i32
      %dma_wait3A_558 = arith.constant 7 : i32
      %dma_wait3A_559 = arith.constant 7 : i32
      %dma_wait3A_560 = arith.constant 0 : i32
      %dma_wait3A_561 = arith.constant 0 : i32
      %dma_wait3A_562 = tpu.memref_slice %arg6[%dma_wait3A_558, %dma_wait3A_560, %dma_wait3A_561] : memref<8x128x64xf32, #tpu.memory_space<vmem>> -> memref<1x128x64xf32, #tpu.memory_space<vmem>>
      %dma_wait3A_563 = tpu.memref_squeeze %dma_wait3A_562 : memref<1x128x64xf32, #tpu.memory_space<vmem>> -> memref<128x64xf32, #tpu.memory_space<vmem>>
      %dma_wait3A_564 = arith.constant 0 : i32
      %dma_wait3A_565 = tpu.memref_slice %arg5[%dma_wait3A_557, %dma_wait3A_564] : memref<80x128xi32, #tpu.memory_space<vmem>> -> memref<1x128xi32, #tpu.memory_space<vmem>>
      %dma_wait3A_566 = tpu.memref_squeeze %dma_wait3A_565 : memref<1x128xi32, #tpu.memory_space<vmem>> -> memref<128xi32, #tpu.memory_space<vmem>>
      %dma_wait3A_567 = arith.constant 0 : i32
      %dma_wait3A_568 = arith.constant 0 : i32
      %dma_wait3A_569 = tpu.memref_slice %arg3[%dma_wait3A_567, %dma_wait3A_568] : memref<1000000x64xf32, #tpu.memory_space<hbm>> -> memref<1000000x64xf32, #tpu.memory_space<hbm>>
      %dma_wait3A_570 = tpu.memref_slice %arg7[%dma_wait3A_559] : memref<8x!tpu.dma_semaphore, #tpu.memory_space<semaphore_mem>> -> memref<1x!tpu.dma_semaphore, #tpu.memory_space<semaphore_mem>>
      %dma_wait3A_571 = tpu.memref_squeeze %dma_wait3A_570 : memref<1x!tpu.dma_semaphore, #tpu.memory_space<semaphore_mem>> -> memref<!tpu.dma_semaphore, #tpu.memory_space<semaphore_mem>>
      tpu.wait_indirect_dma semaphore(%dma_wait3A_571 : memref<!tpu.dma_semaphore, #tpu.memory_space<semaphore_mem>>) src(%dma_wait3A_569 : memref<1000000x64xf32, #tpu.memory_space<hbm>>) dst(%dma_wait3A_563 : memref<128x64xf32, #tpu.memory_space<vmem>>)
      %add3A_572 = arith.constant 7 : i32
      %add3A_573 = arith.addi %mul3A_297, %add3A_572 : i32
      %dma_start3A_574 = arith.constant 7 : i32
      %dma_start3A_575 = arith.constant 7 : i32
      %dma_start3A_576 = arith.constant 0 : i32
      %dma_start3A_577 = arith.constant 0 : i32
      %dma_start3A_578 = tpu.memref_slice %arg6[%dma_start3A_574, %dma_start3A_576, %dma_start3A_577] : memref<8x128x64xf32, #tpu.memory_space<vmem>> -> memref<1x128x64xf32, #tpu.memory_space<vmem>>
      %dma_start3A_579 = tpu.memref_squeeze %dma_start3A_578 : memref<1x128x64xf32, #tpu.memory_space<vmem>> -> memref<128x64xf32, #tpu.memory_space<vmem>>
      %dma_start3A_580 = arith.constant 0 : i32
      %dma_start3A_581 = arith.constant 0 : i32
      %dma_start3A_582 = tpu.memref_slice %arg4[%add3A, %add3A_573, %dma_start3A_580, %dma_start3A_581] : memref<32x80x128x64xf32, #tpu.memory_space<hbm>> -> memref<1x1x128x64xf32, #tpu.memory_space<hbm>>
      %dma_start3A_583 = tpu.memref_squeeze %dma_start3A_582 : memref<1x1x128x64xf32, #tpu.memory_space<hbm>> -> memref<128x64xf32, #tpu.memory_space<hbm>>
      %dma_start3A_584 = tpu.memref_slice %arg8[%dma_start3A_575] : memref<8x!tpu.dma_semaphore, #tpu.memory_space<semaphore_mem>> -> memref<1x!tpu.dma_semaphore, #tpu.memory_space<semaphore_mem>>
      %dma_start3A_585 = tpu.memref_squeeze %dma_start3A_584 : memref<1x!tpu.dma_semaphore, #tpu.memory_space<semaphore_mem>> -> memref<!tpu.dma_semaphore, #tpu.memory_space<semaphore_mem>>
      %dma_start3A_586 = arith.constant 0 : i32
      %dma_start3A_587 = arith.constant 0 : i32
      %dma_start3A_588 = tpu.memref_slice %arg4[%add3A, %add3A_573, %dma_start3A_586, %dma_start3A_587] : memref<32x80x128x64xf32, #tpu.memory_space<hbm>> -> memref<1x1x128x64xf32, #tpu.memory_space<hbm>>
      %dma_start3A_589 = tpu.memref_squeeze %dma_start3A_588 : memref<1x1x128x64xf32, #tpu.memory_space<hbm>> -> memref<128x64xf32, #tpu.memory_space<hbm>>
      %dma_start3A_590 = arith.constant 0 : i32
      %dma_start3A_591 = arith.constant 0 : i32
      %dma_start3A_592 = tpu.memref_slice %arg6[%dma_start3A_574, %dma_start3A_590, %dma_start3A_591] : memref<8x128x64xf32, #tpu.memory_space<vmem>> -> memref<1x128x64xf32, #tpu.memory_space<vmem>>
      %dma_start3A_593 = tpu.memref_squeeze %dma_start3A_592 : memref<1x128x64xf32, #tpu.memory_space<vmem>> -> memref<128x64xf32, #tpu.memory_space<vmem>>
      tpu.enqueue_dma source(%dma_start3A_593 : memref<128x64xf32, #tpu.memory_space<vmem>>) target(%dma_start3A_589 : memref<128x64xf32, #tpu.memory_space<hbm>>) target_semaphore(%dma_start3A_585 : memref<!tpu.dma_semaphore, #tpu.memory_space<semaphore_mem>>)
      %add3A_594 = arith.constant 1 : i32
      %add3A_595 = arith.addi %add3A_295, %add3A_594 : i32
      %lt3A = arith.constant 10 : i32
      %lt3A_596 = arith.cmpi slt, %add3A_595, %lt3A : i32
      %convert_element_type3A = arith.extui %lt3A_596 : i1 to i32
      %cond3A = arith.constant 0 : i32
      %cond3A_597 = arith.cmpi ne, %convert_element_type3A, %cond3A : i32
      scf.if %cond3A_597 {
        %dma_wait3A_598 = arith.constant 0 : i32
        %dma_wait3A_599 = arith.constant 0 : i32
        %dma_wait3A_600 = arith.constant 0 : i32
        %dma_wait3A_601 = arith.constant 0 : i32
        %dma_wait3A_602 = arith.constant 0 : i32
        %dma_wait3A_603 = tpu.memref_slice %arg6[%dma_wait3A_598, %dma_wait3A_601, %dma_wait3A_602] : memref<8x128x64xf32, #tpu.memory_space<vmem>> -> memref<1x128x64xf32, #tpu.memory_space<vmem>>
        %dma_wait3A_604 = tpu.memref_squeeze %dma_wait3A_603 : memref<1x128x64xf32, #tpu.memory_space<vmem>> -> memref<128x64xf32, #tpu.memory_space<vmem>>
        %dma_wait3A_605 = arith.constant 0 : i32
        %dma_wait3A_606 = arith.constant 0 : i32
        %dma_wait3A_607 = tpu.memref_slice %arg4[%add3A, %dma_wait3A_599, %dma_wait3A_605, %dma_wait3A_606] : memref<32x80x128x64xf32, #tpu.memory_space<hbm>> -> memref<1x1x128x64xf32, #tpu.memory_space<hbm>>
        %dma_wait3A_608 = tpu.memref_squeeze %dma_wait3A_607 : memref<1x1x128x64xf32, #tpu.memory_space<hbm>> -> memref<128x64xf32, #tpu.memory_space<hbm>>
        %dma_wait3A_609 = tpu.memref_slice %arg8[%dma_wait3A_600] : memref<8x!tpu.dma_semaphore, #tpu.memory_space<semaphore_mem>> -> memref<1x!tpu.dma_semaphore, #tpu.memory_space<semaphore_mem>>
        %dma_wait3A_610 = tpu.memref_squeeze %dma_wait3A_609 : memref<1x!tpu.dma_semaphore, #tpu.memory_space<semaphore_mem>> -> memref<!tpu.dma_semaphore, #tpu.memory_space<semaphore_mem>>
        %dma_wait3A_611 = arith.constant 0 : i32
        %dma_wait3A_612 = arith.constant 0 : i32
        %dma_wait3A_613 = tpu.memref_slice %arg4[%add3A, %dma_wait3A_599, %dma_wait3A_611, %dma_wait3A_612] : memref<32x80x128x64xf32, #tpu.memory_space<hbm>> -> memref<1x1x128x64xf32, #tpu.memory_space<hbm>>
        %dma_wait3A_614 = tpu.memref_squeeze %dma_wait3A_613 : memref<1x1x128x64xf32, #tpu.memory_space<hbm>> -> memref<128x64xf32, #tpu.memory_space<hbm>>
        %dma_wait3A_615 = arith.constant 0 : i32
        %dma_wait3A_616 = arith.constant 0 : i32
        %dma_wait3A_617 = tpu.memref_slice %arg6[%dma_wait3A_598, %dma_wait3A_615, %dma_wait3A_616] : memref<8x128x64xf32, #tpu.memory_space<vmem>> -> memref<1x128x64xf32, #tpu.memory_space<vmem>>
        %dma_wait3A_618 = tpu.memref_squeeze %dma_wait3A_617 : memref<1x128x64xf32, #tpu.memory_space<vmem>> -> memref<128x64xf32, #tpu.memory_space<vmem>>
        tpu.wait_dma2 semaphore(%dma_wait3A_610 : memref<!tpu.dma_semaphore, #tpu.memory_space<semaphore_mem>>) src(%dma_wait3A_618 : memref<128x64xf32, #tpu.memory_space<vmem>>) dst(%dma_wait3A_614 : memref<128x64xf32, #tpu.memory_space<hbm>>)
        %add3A_619 = arith.constant 8 : i32
        %add3A_620 = arith.addi %mul3A_297, %add3A_619 : i32
        %add3A_621 = arith.constant 0 : i32
        %add3A_622 = arith.addi %add3A_620, %add3A_621 : i32
        %dma_start3A_623 = arith.constant 0 : i32
        %dma_start3A_624 = arith.constant 0 : i32
        %dma_start3A_625 = arith.constant 0 : i32
        %dma_start3A_626 = arith.constant 0 : i32
        %dma_start3A_627 = tpu.memref_slice %arg6[%dma_start3A_623, %dma_start3A_625, %dma_start3A_626] : memref<8x128x64xf32, #tpu.memory_space<vmem>> -> memref<1x128x64xf32, #tpu.memory_space<vmem>>
        %dma_start3A_628 = tpu.memref_squeeze %dma_start3A_627 : memref<1x128x64xf32, #tpu.memory_space<vmem>> -> memref<128x64xf32, #tpu.memory_space<vmem>>
        %dma_start3A_629 = arith.constant 0 : i32
        %dma_start3A_630 = tpu.memref_slice %arg5[%add3A_622, %dma_start3A_629] : memref<80x128xi32, #tpu.memory_space<vmem>> -> memref<1x128xi32, #tpu.memory_space<vmem>>
        %dma_start3A_631 = tpu.memref_squeeze %dma_start3A_630 : memref<1x128xi32, #tpu.memory_space<vmem>> -> memref<128xi32, #tpu.memory_space<vmem>>
        %dma_start3A_632 = arith.constant 0 : i32
        %dma_start3A_633 = arith.constant 0 : i32
        %dma_start3A_634 = tpu.memref_slice %arg3[%dma_start3A_632, %dma_start3A_633] : memref<1000000x64xf32, #tpu.memory_space<hbm>> -> memref<1000000x64xf32, #tpu.memory_space<hbm>>
        %dma_start3A_635 = tpu.memref_slice %arg7[%dma_start3A_624] : memref<8x!tpu.dma_semaphore, #tpu.memory_space<semaphore_mem>> -> memref<1x!tpu.dma_semaphore, #tpu.memory_space<semaphore_mem>>
        %dma_start3A_636 = tpu.memref_squeeze %dma_start3A_635 : memref<1x!tpu.dma_semaphore, #tpu.memory_space<semaphore_mem>> -> memref<!tpu.dma_semaphore, #tpu.memory_space<semaphore_mem>>
        tpu.enqueue_indirect_dma source(%dma_start3A_634 : memref<1000000x64xf32, #tpu.memory_space<hbm>>) target(%dma_start3A_628 : memref<128x64xf32, #tpu.memory_space<vmem>>) offsets(%dma_start3A_631 : memref<128xi32, #tpu.memory_space<vmem>>) semaphore(%dma_start3A_636 : memref<!tpu.dma_semaphore, #tpu.memory_space<semaphore_mem>>)
        %dma_wait3A_637 = arith.constant 1 : i32
        %dma_wait3A_638 = arith.constant 0 : i32
        %dma_wait3A_639 = arith.constant 1 : i32
        %dma_wait3A_640 = arith.constant 0 : i32
        %dma_wait3A_641 = arith.constant 0 : i32
        %dma_wait3A_642 = tpu.memref_slice %arg6[%dma_wait3A_637, %dma_wait3A_640, %dma_wait3A_641] : memref<8x128x64xf32, #tpu.memory_space<vmem>> -> memref<1x128x64xf32, #tpu.memory_space<vmem>>
        %dma_wait3A_643 = tpu.memref_squeeze %dma_wait3A_642 : memref<1x128x64xf32, #tpu.memory_space<vmem>> -> memref<128x64xf32, #tpu.memory_space<vmem>>
        %dma_wait3A_644 = arith.constant 0 : i32
        %dma_wait3A_645 = arith.constant 0 : i32
        %dma_wait3A_646 = tpu.memref_slice %arg4[%add3A, %dma_wait3A_638, %dma_wait3A_644, %dma_wait3A_645] : memref<32x80x128x64xf32, #tpu.memory_space<hbm>> -> memref<1x1x128x64xf32, #tpu.memory_space<hbm>>
        %dma_wait3A_647 = tpu.memref_squeeze %dma_wait3A_646 : memref<1x1x128x64xf32, #tpu.memory_space<hbm>> -> memref<128x64xf32, #tpu.memory_space<hbm>>
        %dma_wait3A_648 = tpu.memref_slice %arg8[%dma_wait3A_639] : memref<8x!tpu.dma_semaphore, #tpu.memory_space<semaphore_mem>> -> memref<1x!tpu.dma_semaphore, #tpu.memory_space<semaphore_mem>>
        %dma_wait3A_649 = tpu.memref_squeeze %dma_wait3A_648 : memref<1x!tpu.dma_semaphore, #tpu.memory_space<semaphore_mem>> -> memref<!tpu.dma_semaphore, #tpu.memory_space<semaphore_mem>>
        %dma_wait3A_650 = arith.constant 0 : i32
        %dma_wait3A_651 = arith.constant 0 : i32
        %dma_wait3A_652 = tpu.memref_slice %arg4[%add3A, %dma_wait3A_638, %dma_wait3A_650, %dma_wait3A_651] : memref<32x80x128x64xf32, #tpu.memory_space<hbm>> -> memref<1x1x128x64xf32, #tpu.memory_space<hbm>>
        %dma_wait3A_653 = tpu.memref_squeeze %dma_wait3A_652 : memref<1x1x128x64xf32, #tpu.memory_space<hbm>> -> memref<128x64xf32, #tpu.memory_space<hbm>>
        %dma_wait3A_654 = arith.constant 0 : i32
        %dma_wait3A_655 = arith.constant 0 : i32
        %dma_wait3A_656 = tpu.memref_slice %arg6[%dma_wait3A_637, %dma_wait3A_654, %dma_wait3A_655] : memref<8x128x64xf32, #tpu.memory_space<vmem>> -> memref<1x128x64xf32, #tpu.memory_space<vmem>>
        %dma_wait3A_657 = tpu.memref_squeeze %dma_wait3A_656 : memref<1x128x64xf32, #tpu.memory_space<vmem>> -> memref<128x64xf32, #tpu.memory_space<vmem>>
        tpu.wait_dma2 semaphore(%dma_wait3A_649 : memref<!tpu.dma_semaphore, #tpu.memory_space<semaphore_mem>>) src(%dma_wait3A_657 : memref<128x64xf32, #tpu.memory_space<vmem>>) dst(%dma_wait3A_653 : memref<128x64xf32, #tpu.memory_space<hbm>>)
        %add3A_658 = arith.constant 8 : i32
        %add3A_659 = arith.addi %mul3A_297, %add3A_658 : i32
        %add3A_660 = arith.constant 1 : i32
        %add3A_661 = arith.addi %add3A_659, %add3A_660 : i32
        %dma_start3A_662 = arith.constant 1 : i32
        %dma_start3A_663 = arith.constant 1 : i32
        %dma_start3A_664 = arith.constant 0 : i32
        %dma_start3A_665 = arith.constant 0 : i32
        %dma_start3A_666 = tpu.memref_slice %arg6[%dma_start3A_662, %dma_start3A_664, %dma_start3A_665] : memref<8x128x64xf32, #tpu.memory_space<vmem>> -> memref<1x128x64xf32, #tpu.memory_space<vmem>>
        %dma_start3A_667 = tpu.memref_squeeze %dma_start3A_666 : memref<1x128x64xf32, #tpu.memory_space<vmem>> -> memref<128x64xf32, #tpu.memory_space<vmem>>
        %dma_start3A_668 = arith.constant 0 : i32
        %dma_start3A_669 = tpu.memref_slice %arg5[%add3A_661, %dma_start3A_668] : memref<80x128xi32, #tpu.memory_space<vmem>> -> memref<1x128xi32, #tpu.memory_space<vmem>>
        %dma_start3A_670 = tpu.memref_squeeze %dma_start3A_669 : memref<1x128xi32, #tpu.memory_space<vmem>> -> memref<128xi32, #tpu.memory_space<vmem>>
        %dma_start3A_671 = arith.constant 0 : i32
        %dma_start3A_672 = arith.constant 0 : i32
        %dma_start3A_673 = tpu.memref_slice %arg3[%dma_start3A_671, %dma_start3A_672] : memref<1000000x64xf32, #tpu.memory_space<hbm>> -> memref<1000000x64xf32, #tpu.memory_space<hbm>>
        %dma_start3A_674 = tpu.memref_slice %arg7[%dma_start3A_663] : memref<8x!tpu.dma_semaphore, #tpu.memory_space<semaphore_mem>> -> memref<1x!tpu.dma_semaphore, #tpu.memory_space<semaphore_mem>>
        %dma_start3A_675 = tpu.memref_squeeze %dma_start3A_674 : memref<1x!tpu.dma_semaphore, #tpu.memory_space<semaphore_mem>> -> memref<!tpu.dma_semaphore, #tpu.memory_space<semaphore_mem>>
        tpu.enqueue_indirect_dma source(%dma_start3A_673 : memref<1000000x64xf32, #tpu.memory_space<hbm>>) target(%dma_start3A_667 : memref<128x64xf32, #tpu.memory_space<vmem>>) offsets(%dma_start3A_670 : memref<128xi32, #tpu.memory_space<vmem>>) semaphore(%dma_start3A_675 : memref<!tpu.dma_semaphore, #tpu.memory_space<semaphore_mem>>)
        %dma_wait3A_676 = arith.constant 2 : i32
        %dma_wait3A_677 = arith.constant 0 : i32
        %dma_wait3A_678 = arith.constant 2 : i32
        %dma_wait3A_679 = arith.constant 0 : i32
        %dma_wait3A_680 = arith.constant 0 : i32
        %dma_wait3A_681 = tpu.memref_slice %arg6[%dma_wait3A_676, %dma_wait3A_679, %dma_wait3A_680] : memref<8x128x64xf32, #tpu.memory_space<vmem>> -> memref<1x128x64xf32, #tpu.memory_space<vmem>>
        %dma_wait3A_682 = tpu.memref_squeeze %dma_wait3A_681 : memref<1x128x64xf32, #tpu.memory_space<vmem>> -> memref<128x64xf32, #tpu.memory_space<vmem>>
        %dma_wait3A_683 = arith.constant 0 : i32
        %dma_wait3A_684 = arith.constant 0 : i32
        %dma_wait3A_685 = tpu.memref_slice %arg4[%add3A, %dma_wait3A_677, %dma_wait3A_683, %dma_wait3A_684] : memref<32x80x128x64xf32, #tpu.memory_space<hbm>> -> memref<1x1x128x64xf32, #tpu.memory_space<hbm>>
        %dma_wait3A_686 = tpu.memref_squeeze %dma_wait3A_685 : memref<1x1x128x64xf32, #tpu.memory_space<hbm>> -> memref<128x64xf32, #tpu.memory_space<hbm>>
        %dma_wait3A_687 = tpu.memref_slice %arg8[%dma_wait3A_678] : memref<8x!tpu.dma_semaphore, #tpu.memory_space<semaphore_mem>> -> memref<1x!tpu.dma_semaphore, #tpu.memory_space<semaphore_mem>>
        %dma_wait3A_688 = tpu.memref_squeeze %dma_wait3A_687 : memref<1x!tpu.dma_semaphore, #tpu.memory_space<semaphore_mem>> -> memref<!tpu.dma_semaphore, #tpu.memory_space<semaphore_mem>>
        %dma_wait3A_689 = arith.constant 0 : i32
        %dma_wait3A_690 = arith.constant 0 : i32
        %dma_wait3A_691 = tpu.memref_slice %arg4[%add3A, %dma_wait3A_677, %dma_wait3A_689, %dma_wait3A_690] : memref<32x80x128x64xf32, #tpu.memory_space<hbm>> -> memref<1x1x128x64xf32, #tpu.memory_space<hbm>>
        %dma_wait3A_692 = tpu.memref_squeeze %dma_wait3A_691 : memref<1x1x128x64xf32, #tpu.memory_space<hbm>> -> memref<128x64xf32, #tpu.memory_space<hbm>>
        %dma_wait3A_693 = arith.constant 0 : i32
        %dma_wait3A_694 = arith.constant 0 : i32
        %dma_wait3A_695 = tpu.memref_slice %arg6[%dma_wait3A_676, %dma_wait3A_693, %dma_wait3A_694] : memref<8x128x64xf32, #tpu.memory_space<vmem>> -> memref<1x128x64xf32, #tpu.memory_space<vmem>>
        %dma_wait3A_696 = tpu.memref_squeeze %dma_wait3A_695 : memref<1x128x64xf32, #tpu.memory_space<vmem>> -> memref<128x64xf32, #tpu.memory_space<vmem>>
        tpu.wait_dma2 semaphore(%dma_wait3A_688 : memref<!tpu.dma_semaphore, #tpu.memory_space<semaphore_mem>>) src(%dma_wait3A_696 : memref<128x64xf32, #tpu.memory_space<vmem>>) dst(%dma_wait3A_692 : memref<128x64xf32, #tpu.memory_space<hbm>>)
        %add3A_697 = arith.constant 8 : i32
        %add3A_698 = arith.addi %mul3A_297, %add3A_697 : i32
        %add3A_699 = arith.constant 2 : i32
        %add3A_700 = arith.addi %add3A_698, %add3A_699 : i32
        %dma_start3A_701 = arith.constant 2 : i32
        %dma_start3A_702 = arith.constant 2 : i32
        %dma_start3A_703 = arith.constant 0 : i32
        %dma_start3A_704 = arith.constant 0 : i32
        %dma_start3A_705 = tpu.memref_slice %arg6[%dma_start3A_701, %dma_start3A_703, %dma_start3A_704] : memref<8x128x64xf32, #tpu.memory_space<vmem>> -> memref<1x128x64xf32, #tpu.memory_space<vmem>>
        %dma_start3A_706 = tpu.memref_squeeze %dma_start3A_705 : memref<1x128x64xf32, #tpu.memory_space<vmem>> -> memref<128x64xf32, #tpu.memory_space<vmem>>
        %dma_start3A_707 = arith.constant 0 : i32
        %dma_start3A_708 = tpu.memref_slice %arg5[%add3A_700, %dma_start3A_707] : memref<80x128xi32, #tpu.memory_space<vmem>> -> memref<1x128xi32, #tpu.memory_space<vmem>>
        %dma_start3A_709 = tpu.memref_squeeze %dma_start3A_708 : memref<1x128xi32, #tpu.memory_space<vmem>> -> memref<128xi32, #tpu.memory_space<vmem>>
        %dma_start3A_710 = arith.constant 0 : i32
        %dma_start3A_711 = arith.constant 0 : i32
        %dma_start3A_712 = tpu.memref_slice %arg3[%dma_start3A_710, %dma_start3A_711] : memref<1000000x64xf32, #tpu.memory_space<hbm>> -> memref<1000000x64xf32, #tpu.memory_space<hbm>>
        %dma_start3A_713 = tpu.memref_slice %arg7[%dma_start3A_702] : memref<8x!tpu.dma_semaphore, #tpu.memory_space<semaphore_mem>> -> memref<1x!tpu.dma_semaphore, #tpu.memory_space<semaphore_mem>>
        %dma_start3A_714 = tpu.memref_squeeze %dma_start3A_713 : memref<1x!tpu.dma_semaphore, #tpu.memory_space<semaphore_mem>> -> memref<!tpu.dma_semaphore, #tpu.memory_space<semaphore_mem>>
        tpu.enqueue_indirect_dma source(%dma_start3A_712 : memref<1000000x64xf32, #tpu.memory_space<hbm>>) target(%dma_start3A_706 : memref<128x64xf32, #tpu.memory_space<vmem>>) offsets(%dma_start3A_709 : memref<128xi32, #tpu.memory_space<vmem>>) semaphore(%dma_start3A_714 : memref<!tpu.dma_semaphore, #tpu.memory_space<semaphore_mem>>)
        %dma_wait3A_715 = arith.constant 3 : i32
        %dma_wait3A_716 = arith.constant 0 : i32
        %dma_wait3A_717 = arith.constant 3 : i32
        %dma_wait3A_718 = arith.constant 0 : i32
        %dma_wait3A_719 = arith.constant 0 : i32
        %dma_wait3A_720 = tpu.memref_slice %arg6[%dma_wait3A_715, %dma_wait3A_718, %dma_wait3A_719] : memref<8x128x64xf32, #tpu.memory_space<vmem>> -> memref<1x128x64xf32, #tpu.memory_space<vmem>>
        %dma_wait3A_721 = tpu.memref_squeeze %dma_wait3A_720 : memref<1x128x64xf32, #tpu.memory_space<vmem>> -> memref<128x64xf32, #tpu.memory_space<vmem>>
        %dma_wait3A_722 = arith.constant 0 : i32
        %dma_wait3A_723 = arith.constant 0 : i32
        %dma_wait3A_724 = tpu.memref_slice %arg4[%add3A, %dma_wait3A_716, %dma_wait3A_722, %dma_wait3A_723] : memref<32x80x128x64xf32, #tpu.memory_space<hbm>> -> memref<1x1x128x64xf32, #tpu.memory_space<hbm>>
        %dma_wait3A_725 = tpu.memref_squeeze %dma_wait3A_724 : memref<1x1x128x64xf32, #tpu.memory_space<hbm>> -> memref<128x64xf32, #tpu.memory_space<hbm>>
        %dma_wait3A_726 = tpu.memref_slice %arg8[%dma_wait3A_717] : memref<8x!tpu.dma_semaphore, #tpu.memory_space<semaphore_mem>> -> memref<1x!tpu.dma_semaphore, #tpu.memory_space<semaphore_mem>>
        %dma_wait3A_727 = tpu.memref_squeeze %dma_wait3A_726 : memref<1x!tpu.dma_semaphore, #tpu.memory_space<semaphore_mem>> -> memref<!tpu.dma_semaphore, #tpu.memory_space<semaphore_mem>>
        %dma_wait3A_728 = arith.constant 0 : i32
        %dma_wait3A_729 = arith.constant 0 : i32
        %dma_wait3A_730 = tpu.memref_slice %arg4[%add3A, %dma_wait3A_716, %dma_wait3A_728, %dma_wait3A_729] : memref<32x80x128x64xf32, #tpu.memory_space<hbm>> -> memref<1x1x128x64xf32, #tpu.memory_space<hbm>>
        %dma_wait3A_731 = tpu.memref_squeeze %dma_wait3A_730 : memref<1x1x128x64xf32, #tpu.memory_space<hbm>> -> memref<128x64xf32, #tpu.memory_space<hbm>>
        %dma_wait3A_732 = arith.constant 0 : i32
        %dma_wait3A_733 = arith.constant 0 : i32
        %dma_wait3A_734 = tpu.memref_slice %arg6[%dma_wait3A_715, %dma_wait3A_732, %dma_wait3A_733] : memref<8x128x64xf32, #tpu.memory_space<vmem>> -> memref<1x128x64xf32, #tpu.memory_space<vmem>>
        %dma_wait3A_735 = tpu.memref_squeeze %dma_wait3A_734 : memref<1x128x64xf32, #tpu.memory_space<vmem>> -> memref<128x64xf32, #tpu.memory_space<vmem>>
        tpu.wait_dma2 semaphore(%dma_wait3A_727 : memref<!tpu.dma_semaphore, #tpu.memory_space<semaphore_mem>>) src(%dma_wait3A_735 : memref<128x64xf32, #tpu.memory_space<vmem>>) dst(%dma_wait3A_731 : memref<128x64xf32, #tpu.memory_space<hbm>>)
        %add3A_736 = arith.constant 8 : i32
        %add3A_737 = arith.addi %mul3A_297, %add3A_736 : i32
        %add3A_738 = arith.constant 3 : i32
        %add3A_739 = arith.addi %add3A_737, %add3A_738 : i32
        %dma_start3A_740 = arith.constant 3 : i32
        %dma_start3A_741 = arith.constant 3 : i32
        %dma_start3A_742 = arith.constant 0 : i32
        %dma_start3A_743 = arith.constant 0 : i32
        %dma_start3A_744 = tpu.memref_slice %arg6[%dma_start3A_740, %dma_start3A_742, %dma_start3A_743] : memref<8x128x64xf32, #tpu.memory_space<vmem>> -> memref<1x128x64xf32, #tpu.memory_space<vmem>>
        %dma_start3A_745 = tpu.memref_squeeze %dma_start3A_744 : memref<1x128x64xf32, #tpu.memory_space<vmem>> -> memref<128x64xf32, #tpu.memory_space<vmem>>
        %dma_start3A_746 = arith.constant 0 : i32
        %dma_start3A_747 = tpu.memref_slice %arg5[%add3A_739, %dma_start3A_746] : memref<80x128xi32, #tpu.memory_space<vmem>> -> memref<1x128xi32, #tpu.memory_space<vmem>>
        %dma_start3A_748 = tpu.memref_squeeze %dma_start3A_747 : memref<1x128xi32, #tpu.memory_space<vmem>> -> memref<128xi32, #tpu.memory_space<vmem>>
        %dma_start3A_749 = arith.constant 0 : i32
        %dma_start3A_750 = arith.constant 0 : i32
        %dma_start3A_751 = tpu.memref_slice %arg3[%dma_start3A_749, %dma_start3A_750] : memref<1000000x64xf32, #tpu.memory_space<hbm>> -> memref<1000000x64xf32, #tpu.memory_space<hbm>>
        %dma_start3A_752 = tpu.memref_slice %arg7[%dma_start3A_741] : memref<8x!tpu.dma_semaphore, #tpu.memory_space<semaphore_mem>> -> memref<1x!tpu.dma_semaphore, #tpu.memory_space<semaphore_mem>>
        %dma_start3A_753 = tpu.memref_squeeze %dma_start3A_752 : memref<1x!tpu.dma_semaphore, #tpu.memory_space<semaphore_mem>> -> memref<!tpu.dma_semaphore, #tpu.memory_space<semaphore_mem>>
        tpu.enqueue_indirect_dma source(%dma_start3A_751 : memref<1000000x64xf32, #tpu.memory_space<hbm>>) target(%dma_start3A_745 : memref<128x64xf32, #tpu.memory_space<vmem>>) offsets(%dma_start3A_748 : memref<128xi32, #tpu.memory_space<vmem>>) semaphore(%dma_start3A_753 : memref<!tpu.dma_semaphore, #tpu.memory_space<semaphore_mem>>)
        %dma_wait3A_754 = arith.constant 4 : i32
        %dma_wait3A_755 = arith.constant 0 : i32
        %dma_wait3A_756 = arith.constant 4 : i32
        %dma_wait3A_757 = arith.constant 0 : i32
        %dma_wait3A_758 = arith.constant 0 : i32
        %dma_wait3A_759 = tpu.memref_slice %arg6[%dma_wait3A_754, %dma_wait3A_757, %dma_wait3A_758] : memref<8x128x64xf32, #tpu.memory_space<vmem>> -> memref<1x128x64xf32, #tpu.memory_space<vmem>>
        %dma_wait3A_760 = tpu.memref_squeeze %dma_wait3A_759 : memref<1x128x64xf32, #tpu.memory_space<vmem>> -> memref<128x64xf32, #tpu.memory_space<vmem>>
        %dma_wait3A_761 = arith.constant 0 : i32
        %dma_wait3A_762 = arith.constant 0 : i32
        %dma_wait3A_763 = tpu.memref_slice %arg4[%add3A, %dma_wait3A_755, %dma_wait3A_761, %dma_wait3A_762] : memref<32x80x128x64xf32, #tpu.memory_space<hbm>> -> memref<1x1x128x64xf32, #tpu.memory_space<hbm>>
        %dma_wait3A_764 = tpu.memref_squeeze %dma_wait3A_763 : memref<1x1x128x64xf32, #tpu.memory_space<hbm>> -> memref<128x64xf32, #tpu.memory_space<hbm>>
        %dma_wait3A_765 = tpu.memref_slice %arg8[%dma_wait3A_756] : memref<8x!tpu.dma_semaphore, #tpu.memory_space<semaphore_mem>> -> memref<1x!tpu.dma_semaphore, #tpu.memory_space<semaphore_mem>>
        %dma_wait3A_766 = tpu.memref_squeeze %dma_wait3A_765 : memref<1x!tpu.dma_semaphore, #tpu.memory_space<semaphore_mem>> -> memref<!tpu.dma_semaphore, #tpu.memory_space<semaphore_mem>>
        %dma_wait3A_767 = arith.constant 0 : i32
        %dma_wait3A_768 = arith.constant 0 : i32
        %dma_wait3A_769 = tpu.memref_slice %arg4[%add3A, %dma_wait3A_755, %dma_wait3A_767, %dma_wait3A_768] : memref<32x80x128x64xf32, #tpu.memory_space<hbm>> -> memref<1x1x128x64xf32, #tpu.memory_space<hbm>>
        %dma_wait3A_770 = tpu.memref_squeeze %dma_wait3A_769 : memref<1x1x128x64xf32, #tpu.memory_space<hbm>> -> memref<128x64xf32, #tpu.memory_space<hbm>>
        %dma_wait3A_771 = arith.constant 0 : i32
        %dma_wait3A_772 = arith.constant 0 : i32
        %dma_wait3A_773 = tpu.memref_slice %arg6[%dma_wait3A_754, %dma_wait3A_771, %dma_wait3A_772] : memref<8x128x64xf32, #tpu.memory_space<vmem>> -> memref<1x128x64xf32, #tpu.memory_space<vmem>>
        %dma_wait3A_774 = tpu.memref_squeeze %dma_wait3A_773 : memref<1x128x64xf32, #tpu.memory_space<vmem>> -> memref<128x64xf32, #tpu.memory_space<vmem>>
        tpu.wait_dma2 semaphore(%dma_wait3A_766 : memref<!tpu.dma_semaphore, #tpu.memory_space<semaphore_mem>>) src(%dma_wait3A_774 : memref<128x64xf32, #tpu.memory_space<vmem>>) dst(%dma_wait3A_770 : memref<128x64xf32, #tpu.memory_space<hbm>>)
        %add3A_775 = arith.constant 8 : i32
        %add3A_776 = arith.addi %mul3A_297, %add3A_775 : i32
        %add3A_777 = arith.constant 4 : i32
        %add3A_778 = arith.addi %add3A_776, %add3A_777 : i32
        %dma_start3A_779 = arith.constant 4 : i32
        %dma_start3A_780 = arith.constant 4 : i32
        %dma_start3A_781 = arith.constant 0 : i32
        %dma_start3A_782 = arith.constant 0 : i32
        %dma_start3A_783 = tpu.memref_slice %arg6[%dma_start3A_779, %dma_start3A_781, %dma_start3A_782] : memref<8x128x64xf32, #tpu.memory_space<vmem>> -> memref<1x128x64xf32, #tpu.memory_space<vmem>>
        %dma_start3A_784 = tpu.memref_squeeze %dma_start3A_783 : memref<1x128x64xf32, #tpu.memory_space<vmem>> -> memref<128x64xf32, #tpu.memory_space<vmem>>
        %dma_start3A_785 = arith.constant 0 : i32
        %dma_start3A_786 = tpu.memref_slice %arg5[%add3A_778, %dma_start3A_785] : memref<80x128xi32, #tpu.memory_space<vmem>> -> memref<1x128xi32, #tpu.memory_space<vmem>>
        %dma_start3A_787 = tpu.memref_squeeze %dma_start3A_786 : memref<1x128xi32, #tpu.memory_space<vmem>> -> memref<128xi32, #tpu.memory_space<vmem>>
        %dma_start3A_788 = arith.constant 0 : i32
        %dma_start3A_789 = arith.constant 0 : i32
        %dma_start3A_790 = tpu.memref_slice %arg3[%dma_start3A_788, %dma_start3A_789] : memref<1000000x64xf32, #tpu.memory_space<hbm>> -> memref<1000000x64xf32, #tpu.memory_space<hbm>>
        %dma_start3A_791 = tpu.memref_slice %arg7[%dma_start3A_780] : memref<8x!tpu.dma_semaphore, #tpu.memory_space<semaphore_mem>> -> memref<1x!tpu.dma_semaphore, #tpu.memory_space<semaphore_mem>>
        %dma_start3A_792 = tpu.memref_squeeze %dma_start3A_791 : memref<1x!tpu.dma_semaphore, #tpu.memory_space<semaphore_mem>> -> memref<!tpu.dma_semaphore, #tpu.memory_space<semaphore_mem>>
        tpu.enqueue_indirect_dma source(%dma_start3A_790 : memref<1000000x64xf32, #tpu.memory_space<hbm>>) target(%dma_start3A_784 : memref<128x64xf32, #tpu.memory_space<vmem>>) offsets(%dma_start3A_787 : memref<128xi32, #tpu.memory_space<vmem>>) semaphore(%dma_start3A_792 : memref<!tpu.dma_semaphore, #tpu.memory_space<semaphore_mem>>)
        %dma_wait3A_793 = arith.constant 5 : i32
        %dma_wait3A_794 = arith.constant 0 : i32
        %dma_wait3A_795 = arith.constant 5 : i32
        %dma_wait3A_796 = arith.constant 0 : i32
        %dma_wait3A_797 = arith.constant 0 : i32
        %dma_wait3A_798 = tpu.memref_slice %arg6[%dma_wait3A_793, %dma_wait3A_796, %dma_wait3A_797] : memref<8x128x64xf32, #tpu.memory_space<vmem>> -> memref<1x128x64xf32, #tpu.memory_space<vmem>>
        %dma_wait3A_799 = tpu.memref_squeeze %dma_wait3A_798 : memref<1x128x64xf32, #tpu.memory_space<vmem>> -> memref<128x64xf32, #tpu.memory_space<vmem>>
        %dma_wait3A_800 = arith.constant 0 : i32
        %dma_wait3A_801 = arith.constant 0 : i32
        %dma_wait3A_802 = tpu.memref_slice %arg4[%add3A, %dma_wait3A_794, %dma_wait3A_800, %dma_wait3A_801] : memref<32x80x128x64xf32, #tpu.memory_space<hbm>> -> memref<1x1x128x64xf32, #tpu.memory_space<hbm>>
        %dma_wait3A_803 = tpu.memref_squeeze %dma_wait3A_802 : memref<1x1x128x64xf32, #tpu.memory_space<hbm>> -> memref<128x64xf32, #tpu.memory_space<hbm>>
        %dma_wait3A_804 = tpu.memref_slice %arg8[%dma_wait3A_795] : memref<8x!tpu.dma_semaphore, #tpu.memory_space<semaphore_mem>> -> memref<1x!tpu.dma_semaphore, #tpu.memory_space<semaphore_mem>>
        %dma_wait3A_805 = tpu.memref_squeeze %dma_wait3A_804 : memref<1x!tpu.dma_semaphore, #tpu.memory_space<semaphore_mem>> -> memref<!tpu.dma_semaphore, #tpu.memory_space<semaphore_mem>>
        %dma_wait3A_806 = arith.constant 0 : i32
        %dma_wait3A_807 = arith.constant 0 : i32
        %dma_wait3A_808 = tpu.memref_slice %arg4[%add3A, %dma_wait3A_794, %dma_wait3A_806, %dma_wait3A_807] : memref<32x80x128x64xf32, #tpu.memory_space<hbm>> -> memref<1x1x128x64xf32, #tpu.memory_space<hbm>>
        %dma_wait3A_809 = tpu.memref_squeeze %dma_wait3A_808 : memref<1x1x128x64xf32, #tpu.memory_space<hbm>> -> memref<128x64xf32, #tpu.memory_space<hbm>>
        %dma_wait3A_810 = arith.constant 0 : i32
        %dma_wait3A_811 = arith.constant 0 : i32
        %dma_wait3A_812 = tpu.memref_slice %arg6[%dma_wait3A_793, %dma_wait3A_810, %dma_wait3A_811] : memref<8x128x64xf32, #tpu.memory_space<vmem>> -> memref<1x128x64xf32, #tpu.memory_space<vmem>>
        %dma_wait3A_813 = tpu.memref_squeeze %dma_wait3A_812 : memref<1x128x64xf32, #tpu.memory_space<vmem>> -> memref<128x64xf32, #tpu.memory_space<vmem>>
        tpu.wait_dma2 semaphore(%dma_wait3A_805 : memref<!tpu.dma_semaphore, #tpu.memory_space<semaphore_mem>>) src(%dma_wait3A_813 : memref<128x64xf32, #tpu.memory_space<vmem>>) dst(%dma_wait3A_809 : memref<128x64xf32, #tpu.memory_space<hbm>>)
        %add3A_814 = arith.constant 8 : i32
        %add3A_815 = arith.addi %mul3A_297, %add3A_814 : i32
        %add3A_816 = arith.constant 5 : i32
        %add3A_817 = arith.addi %add3A_815, %add3A_816 : i32
        %dma_start3A_818 = arith.constant 5 : i32
        %dma_start3A_819 = arith.constant 5 : i32
        %dma_start3A_820 = arith.constant 0 : i32
        %dma_start3A_821 = arith.constant 0 : i32
        %dma_start3A_822 = tpu.memref_slice %arg6[%dma_start3A_818, %dma_start3A_820, %dma_start3A_821] : memref<8x128x64xf32, #tpu.memory_space<vmem>> -> memref<1x128x64xf32, #tpu.memory_space<vmem>>
        %dma_start3A_823 = tpu.memref_squeeze %dma_start3A_822 : memref<1x128x64xf32, #tpu.memory_space<vmem>> -> memref<128x64xf32, #tpu.memory_space<vmem>>
        %dma_start3A_824 = arith.constant 0 : i32
        %dma_start3A_825 = tpu.memref_slice %arg5[%add3A_817, %dma_start3A_824] : memref<80x128xi32, #tpu.memory_space<vmem>> -> memref<1x128xi32, #tpu.memory_space<vmem>>
        %dma_start3A_826 = tpu.memref_squeeze %dma_start3A_825 : memref<1x128xi32, #tpu.memory_space<vmem>> -> memref<128xi32, #tpu.memory_space<vmem>>
        %dma_start3A_827 = arith.constant 0 : i32
        %dma_start3A_828 = arith.constant 0 : i32
        %dma_start3A_829 = tpu.memref_slice %arg3[%dma_start3A_827, %dma_start3A_828] : memref<1000000x64xf32, #tpu.memory_space<hbm>> -> memref<1000000x64xf32, #tpu.memory_space<hbm>>
        %dma_start3A_830 = tpu.memref_slice %arg7[%dma_start3A_819] : memref<8x!tpu.dma_semaphore, #tpu.memory_space<semaphore_mem>> -> memref<1x!tpu.dma_semaphore, #tpu.memory_space<semaphore_mem>>
        %dma_start3A_831 = tpu.memref_squeeze %dma_start3A_830 : memref<1x!tpu.dma_semaphore, #tpu.memory_space<semaphore_mem>> -> memref<!tpu.dma_semaphore, #tpu.memory_space<semaphore_mem>>
        tpu.enqueue_indirect_dma source(%dma_start3A_829 : memref<1000000x64xf32, #tpu.memory_space<hbm>>) target(%dma_start3A_823 : memref<128x64xf32, #tpu.memory_space<vmem>>) offsets(%dma_start3A_826 : memref<128xi32, #tpu.memory_space<vmem>>) semaphore(%dma_start3A_831 : memref<!tpu.dma_semaphore, #tpu.memory_space<semaphore_mem>>)
        %dma_wait3A_832 = arith.constant 6 : i32
        %dma_wait3A_833 = arith.constant 0 : i32
        %dma_wait3A_834 = arith.constant 6 : i32
        %dma_wait3A_835 = arith.constant 0 : i32
        %dma_wait3A_836 = arith.constant 0 : i32
        %dma_wait3A_837 = tpu.memref_slice %arg6[%dma_wait3A_832, %dma_wait3A_835, %dma_wait3A_836] : memref<8x128x64xf32, #tpu.memory_space<vmem>> -> memref<1x128x64xf32, #tpu.memory_space<vmem>>
        %dma_wait3A_838 = tpu.memref_squeeze %dma_wait3A_837 : memref<1x128x64xf32, #tpu.memory_space<vmem>> -> memref<128x64xf32, #tpu.memory_space<vmem>>
        %dma_wait3A_839 = arith.constant 0 : i32
        %dma_wait3A_840 = arith.constant 0 : i32
        %dma_wait3A_841 = tpu.memref_slice %arg4[%add3A, %dma_wait3A_833, %dma_wait3A_839, %dma_wait3A_840] : memref<32x80x128x64xf32, #tpu.memory_space<hbm>> -> memref<1x1x128x64xf32, #tpu.memory_space<hbm>>
        %dma_wait3A_842 = tpu.memref_squeeze %dma_wait3A_841 : memref<1x1x128x64xf32, #tpu.memory_space<hbm>> -> memref<128x64xf32, #tpu.memory_space<hbm>>
        %dma_wait3A_843 = tpu.memref_slice %arg8[%dma_wait3A_834] : memref<8x!tpu.dma_semaphore, #tpu.memory_space<semaphore_mem>> -> memref<1x!tpu.dma_semaphore, #tpu.memory_space<semaphore_mem>>
        %dma_wait3A_844 = tpu.memref_squeeze %dma_wait3A_843 : memref<1x!tpu.dma_semaphore, #tpu.memory_space<semaphore_mem>> -> memref<!tpu.dma_semaphore, #tpu.memory_space<semaphore_mem>>
        %dma_wait3A_845 = arith.constant 0 : i32
        %dma_wait3A_846 = arith.constant 0 : i32
        %dma_wait3A_847 = tpu.memref_slice %arg4[%add3A, %dma_wait3A_833, %dma_wait3A_845, %dma_wait3A_846] : memref<32x80x128x64xf32, #tpu.memory_space<hbm>> -> memref<1x1x128x64xf32, #tpu.memory_space<hbm>>
        %dma_wait3A_848 = tpu.memref_squeeze %dma_wait3A_847 : memref<1x1x128x64xf32, #tpu.memory_space<hbm>> -> memref<128x64xf32, #tpu.memory_space<hbm>>
        %dma_wait3A_849 = arith.constant 0 : i32
        %dma_wait3A_850 = arith.constant 0 : i32
        %dma_wait3A_851 = tpu.memref_slice %arg6[%dma_wait3A_832, %dma_wait3A_849, %dma_wait3A_850] : memref<8x128x64xf32, #tpu.memory_space<vmem>> -> memref<1x128x64xf32, #tpu.memory_space<vmem>>
        %dma_wait3A_852 = tpu.memref_squeeze %dma_wait3A_851 : memref<1x128x64xf32, #tpu.memory_space<vmem>> -> memref<128x64xf32, #tpu.memory_space<vmem>>
        tpu.wait_dma2 semaphore(%dma_wait3A_844 : memref<!tpu.dma_semaphore, #tpu.memory_space<semaphore_mem>>) src(%dma_wait3A_852 : memref<128x64xf32, #tpu.memory_space<vmem>>) dst(%dma_wait3A_848 : memref<128x64xf32, #tpu.memory_space<hbm>>)
        %add3A_853 = arith.constant 8 : i32
        %add3A_854 = arith.addi %mul3A_297, %add3A_853 : i32
        %add3A_855 = arith.constant 6 : i32
        %add3A_856 = arith.addi %add3A_854, %add3A_855 : i32
        %dma_start3A_857 = arith.constant 6 : i32
        %dma_start3A_858 = arith.constant 6 : i32
        %dma_start3A_859 = arith.constant 0 : i32
        %dma_start3A_860 = arith.constant 0 : i32
        %dma_start3A_861 = tpu.memref_slice %arg6[%dma_start3A_857, %dma_start3A_859, %dma_start3A_860] : memref<8x128x64xf32, #tpu.memory_space<vmem>> -> memref<1x128x64xf32, #tpu.memory_space<vmem>>
        %dma_start3A_862 = tpu.memref_squeeze %dma_start3A_861 : memref<1x128x64xf32, #tpu.memory_space<vmem>> -> memref<128x64xf32, #tpu.memory_space<vmem>>
        %dma_start3A_863 = arith.constant 0 : i32
        %dma_start3A_864 = tpu.memref_slice %arg5[%add3A_856, %dma_start3A_863] : memref<80x128xi32, #tpu.memory_space<vmem>> -> memref<1x128xi32, #tpu.memory_space<vmem>>
        %dma_start3A_865 = tpu.memref_squeeze %dma_start3A_864 : memref<1x128xi32, #tpu.memory_space<vmem>> -> memref<128xi32, #tpu.memory_space<vmem>>
        %dma_start3A_866 = arith.constant 0 : i32
        %dma_start3A_867 = arith.constant 0 : i32
        %dma_start3A_868 = tpu.memref_slice %arg3[%dma_start3A_866, %dma_start3A_867] : memref<1000000x64xf32, #tpu.memory_space<hbm>> -> memref<1000000x64xf32, #tpu.memory_space<hbm>>
        %dma_start3A_869 = tpu.memref_slice %arg7[%dma_start3A_858] : memref<8x!tpu.dma_semaphore, #tpu.memory_space<semaphore_mem>> -> memref<1x!tpu.dma_semaphore, #tpu.memory_space<semaphore_mem>>
        %dma_start3A_870 = tpu.memref_squeeze %dma_start3A_869 : memref<1x!tpu.dma_semaphore, #tpu.memory_space<semaphore_mem>> -> memref<!tpu.dma_semaphore, #tpu.memory_space<semaphore_mem>>
        tpu.enqueue_indirect_dma source(%dma_start3A_868 : memref<1000000x64xf32, #tpu.memory_space<hbm>>) target(%dma_start3A_862 : memref<128x64xf32, #tpu.memory_space<vmem>>) offsets(%dma_start3A_865 : memref<128xi32, #tpu.memory_space<vmem>>) semaphore(%dma_start3A_870 : memref<!tpu.dma_semaphore, #tpu.memory_space<semaphore_mem>>)
        %dma_wait3A_871 = arith.constant 7 : i32
        %dma_wait3A_872 = arith.constant 0 : i32
        %dma_wait3A_873 = arith.constant 7 : i32
        %dma_wait3A_874 = arith.constant 0 : i32
        %dma_wait3A_875 = arith.constant 0 : i32
        %dma_wait3A_876 = tpu.memref_slice %arg6[%dma_wait3A_871, %dma_wait3A_874, %dma_wait3A_875] : memref<8x128x64xf32, #tpu.memory_space<vmem>> -> memref<1x128x64xf32, #tpu.memory_space<vmem>>
        %dma_wait3A_877 = tpu.memref_squeeze %dma_wait3A_876 : memref<1x128x64xf32, #tpu.memory_space<vmem>> -> memref<128x64xf32, #tpu.memory_space<vmem>>
        %dma_wait3A_878 = arith.constant 0 : i32
        %dma_wait3A_879 = arith.constant 0 : i32
        %dma_wait3A_880 = tpu.memref_slice %arg4[%add3A, %dma_wait3A_872, %dma_wait3A_878, %dma_wait3A_879] : memref<32x80x128x64xf32, #tpu.memory_space<hbm>> -> memref<1x1x128x64xf32, #tpu.memory_space<hbm>>
        %dma_wait3A_881 = tpu.memref_squeeze %dma_wait3A_880 : memref<1x1x128x64xf32, #tpu.memory_space<hbm>> -> memref<128x64xf32, #tpu.memory_space<hbm>>
        %dma_wait3A_882 = tpu.memref_slice %arg8[%dma_wait3A_873] : memref<8x!tpu.dma_semaphore, #tpu.memory_space<semaphore_mem>> -> memref<1x!tpu.dma_semaphore, #tpu.memory_space<semaphore_mem>>
        %dma_wait3A_883 = tpu.memref_squeeze %dma_wait3A_882 : memref<1x!tpu.dma_semaphore, #tpu.memory_space<semaphore_mem>> -> memref<!tpu.dma_semaphore, #tpu.memory_space<semaphore_mem>>
        %dma_wait3A_884 = arith.constant 0 : i32
        %dma_wait3A_885 = arith.constant 0 : i32
        %dma_wait3A_886 = tpu.memref_slice %arg4[%add3A, %dma_wait3A_872, %dma_wait3A_884, %dma_wait3A_885] : memref<32x80x128x64xf32, #tpu.memory_space<hbm>> -> memref<1x1x128x64xf32, #tpu.memory_space<hbm>>
        %dma_wait3A_887 = tpu.memref_squeeze %dma_wait3A_886 : memref<1x1x128x64xf32, #tpu.memory_space<hbm>> -> memref<128x64xf32, #tpu.memory_space<hbm>>
        %dma_wait3A_888 = arith.constant 0 : i32
        %dma_wait3A_889 = arith.constant 0 : i32
        %dma_wait3A_890 = tpu.memref_slice %arg6[%dma_wait3A_871, %dma_wait3A_888, %dma_wait3A_889] : memref<8x128x64xf32, #tpu.memory_space<vmem>> -> memref<1x128x64xf32, #tpu.memory_space<vmem>>
        %dma_wait3A_891 = tpu.memref_squeeze %dma_wait3A_890 : memref<1x128x64xf32, #tpu.memory_space<vmem>> -> memref<128x64xf32, #tpu.memory_space<vmem>>
        tpu.wait_dma2 semaphore(%dma_wait3A_883 : memref<!tpu.dma_semaphore, #tpu.memory_space<semaphore_mem>>) src(%dma_wait3A_891 : memref<128x64xf32, #tpu.memory_space<vmem>>) dst(%dma_wait3A_887 : memref<128x64xf32, #tpu.memory_space<hbm>>)
        %add3A_892 = arith.constant 8 : i32
        %add3A_893 = arith.addi %mul3A_297, %add3A_892 : i32
        %add3A_894 = arith.constant 7 : i32
        %add3A_895 = arith.addi %add3A_893, %add3A_894 : i32
        %dma_start3A_896 = arith.constant 7 : i32
        %dma_start3A_897 = arith.constant 7 : i32
        %dma_start3A_898 = arith.constant 0 : i32
        %dma_start3A_899 = arith.constant 0 : i32
        %dma_start3A_900 = tpu.memref_slice %arg6[%dma_start3A_896, %dma_start3A_898, %dma_start3A_899] : memref<8x128x64xf32, #tpu.memory_space<vmem>> -> memref<1x128x64xf32, #tpu.memory_space<vmem>>
        %dma_start3A_901 = tpu.memref_squeeze %dma_start3A_900 : memref<1x128x64xf32, #tpu.memory_space<vmem>> -> memref<128x64xf32, #tpu.memory_space<vmem>>
        %dma_start3A_902 = arith.constant 0 : i32
        %dma_start3A_903 = tpu.memref_slice %arg5[%add3A_895, %dma_start3A_902] : memref<80x128xi32, #tpu.memory_space<vmem>> -> memref<1x128xi32, #tpu.memory_space<vmem>>
        %dma_start3A_904 = tpu.memref_squeeze %dma_start3A_903 : memref<1x128xi32, #tpu.memory_space<vmem>> -> memref<128xi32, #tpu.memory_space<vmem>>
        %dma_start3A_905 = arith.constant 0 : i32
        %dma_start3A_906 = arith.constant 0 : i32
        %dma_start3A_907 = tpu.memref_slice %arg3[%dma_start3A_905, %dma_start3A_906] : memref<1000000x64xf32, #tpu.memory_space<hbm>> -> memref<1000000x64xf32, #tpu.memory_space<hbm>>
        %dma_start3A_908 = tpu.memref_slice %arg7[%dma_start3A_897] : memref<8x!tpu.dma_semaphore, #tpu.memory_space<semaphore_mem>> -> memref<1x!tpu.dma_semaphore, #tpu.memory_space<semaphore_mem>>
        %dma_start3A_909 = tpu.memref_squeeze %dma_start3A_908 : memref<1x!tpu.dma_semaphore, #tpu.memory_space<semaphore_mem>> -> memref<!tpu.dma_semaphore, #tpu.memory_space<semaphore_mem>>
        tpu.enqueue_indirect_dma source(%dma_start3A_907 : memref<1000000x64xf32, #tpu.memory_space<hbm>>) target(%dma_start3A_901 : memref<128x64xf32, #tpu.memory_space<vmem>>) offsets(%dma_start3A_904 : memref<128xi32, #tpu.memory_space<vmem>>) semaphore(%dma_start3A_909 : memref<!tpu.dma_semaphore, #tpu.memory_space<semaphore_mem>>)
      } else {
      }
    }
    %scan3A_123 = arith.constant 10 : i32
    %dma_wait3A = arith.constant 0 : i32
    %dma_wait3A_124 = arith.constant 0 : i32
    %dma_wait3A_125 = arith.constant 0 : i32
    %dma_wait3A_126 = arith.constant 0 : i32
    %dma_wait3A_127 = arith.constant 0 : i32
    %dma_wait3A_128 = tpu.memref_slice %arg6[%dma_wait3A, %dma_wait3A_126, %dma_wait3A_127] : memref<8x128x64xf32, #tpu.memory_space<vmem>> -> memref<1x128x64xf32, #tpu.memory_space<vmem>>
    %dma_wait3A_129 = tpu.memref_squeeze %dma_wait3A_128 : memref<1x128x64xf32, #tpu.memory_space<vmem>> -> memref<128x64xf32, #tpu.memory_space<vmem>>
    %dma_wait3A_130 = arith.constant 0 : i32
    %dma_wait3A_131 = arith.constant 0 : i32
    %dma_wait3A_132 = tpu.memref_slice %arg4[%add3A, %dma_wait3A_124, %dma_wait3A_130, %dma_wait3A_131] : memref<32x80x128x64xf32, #tpu.memory_space<hbm>> -> memref<1x1x128x64xf32, #tpu.memory_space<hbm>>
    %dma_wait3A_133 = tpu.memref_squeeze %dma_wait3A_132 : memref<1x1x128x64xf32, #tpu.memory_space<hbm>> -> memref<128x64xf32, #tpu.memory_space<hbm>>
    %dma_wait3A_134 = tpu.memref_slice %arg8[%dma_wait3A_125] : memref<8x!tpu.dma_semaphore, #tpu.memory_space<semaphore_mem>> -> memref<1x!tpu.dma_semaphore, #tpu.memory_space<semaphore_mem>>
    %dma_wait3A_135 = tpu.memref_squeeze %dma_wait3A_134 : memref<1x!tpu.dma_semaphore, #tpu.memory_space<semaphore_mem>> -> memref<!tpu.dma_semaphore, #tpu.memory_space<semaphore_mem>>
    %dma_wait3A_136 = arith.constant 0 : i32
    %dma_wait3A_137 = arith.constant 0 : i32
    %dma_wait3A_138 = tpu.memref_slice %arg4[%add3A, %dma_wait3A_124, %dma_wait3A_136, %dma_wait3A_137] : memref<32x80x128x64xf32, #tpu.memory_space<hbm>> -> memref<1x1x128x64xf32, #tpu.memory_space<hbm>>
    %dma_wait3A_139 = tpu.memref_squeeze %dma_wait3A_138 : memref<1x1x128x64xf32, #tpu.memory_space<hbm>> -> memref<128x64xf32, #tpu.memory_space<hbm>>
    %dma_wait3A_140 = arith.constant 0 : i32
    %dma_wait3A_141 = arith.constant 0 : i32
    %dma_wait3A_142 = tpu.memref_slice %arg6[%dma_wait3A, %dma_wait3A_140, %dma_wait3A_141] : memref<8x128x64xf32, #tpu.memory_space<vmem>> -> memref<1x128x64xf32, #tpu.memory_space<vmem>>
    %dma_wait3A_143 = tpu.memref_squeeze %dma_wait3A_142 : memref<1x128x64xf32, #tpu.memory_space<vmem>> -> memref<128x64xf32, #tpu.memory_space<vmem>>
    tpu.wait_dma2 semaphore(%dma_wait3A_135 : memref<!tpu.dma_semaphore, #tpu.memory_space<semaphore_mem>>) src(%dma_wait3A_143 : memref<128x64xf32, #tpu.memory_space<vmem>>) dst(%dma_wait3A_139 : memref<128x64xf32, #tpu.memory_space<hbm>>)
    %dma_wait3A_144 = arith.constant 1 : i32
    %dma_wait3A_145 = arith.constant 0 : i32
    %dma_wait3A_146 = arith.constant 1 : i32
    %dma_wait3A_147 = arith.constant 0 : i32
    %dma_wait3A_148 = arith.constant 0 : i32
    %dma_wait3A_149 = tpu.memref_slice %arg6[%dma_wait3A_144, %dma_wait3A_147, %dma_wait3A_148] : memref<8x128x64xf32, #tpu.memory_space<vmem>> -> memref<1x128x64xf32, #tpu.memory_space<vmem>>
    %dma_wait3A_150 = tpu.memref_squeeze %dma_wait3A_149 : memref<1x128x64xf32, #tpu.memory_space<vmem>> -> memref<128x64xf32, #tpu.memory_space<vmem>>
    %dma_wait3A_151 = arith.constant 0 : i32
    %dma_wait3A_152 = arith.constant 0 : i32
    %dma_wait3A_153 = tpu.memref_slice %arg4[%add3A, %dma_wait3A_145, %dma_wait3A_151, %dma_wait3A_152] : memref<32x80x128x64xf32, #tpu.memory_space<hbm>> -> memref<1x1x128x64xf32, #tpu.memory_space<hbm>>
    %dma_wait3A_154 = tpu.memref_squeeze %dma_wait3A_153 : memref<1x1x128x64xf32, #tpu.memory_space<hbm>> -> memref<128x64xf32, #tpu.memory_space<hbm>>
    %dma_wait3A_155 = tpu.memref_slice %arg8[%dma_wait3A_146] : memref<8x!tpu.dma_semaphore, #tpu.memory_space<semaphore_mem>> -> memref<1x!tpu.dma_semaphore, #tpu.memory_space<semaphore_mem>>
    %dma_wait3A_156 = tpu.memref_squeeze %dma_wait3A_155 : memref<1x!tpu.dma_semaphore, #tpu.memory_space<semaphore_mem>> -> memref<!tpu.dma_semaphore, #tpu.memory_space<semaphore_mem>>
    %dma_wait3A_157 = arith.constant 0 : i32
    %dma_wait3A_158 = arith.constant 0 : i32
    %dma_wait3A_159 = tpu.memref_slice %arg4[%add3A, %dma_wait3A_145, %dma_wait3A_157, %dma_wait3A_158] : memref<32x80x128x64xf32, #tpu.memory_space<hbm>> -> memref<1x1x128x64xf32, #tpu.memory_space<hbm>>
    %dma_wait3A_160 = tpu.memref_squeeze %dma_wait3A_159 : memref<1x1x128x64xf32, #tpu.memory_space<hbm>> -> memref<128x64xf32, #tpu.memory_space<hbm>>
    %dma_wait3A_161 = arith.constant 0 : i32
    %dma_wait3A_162 = arith.constant 0 : i32
    %dma_wait3A_163 = tpu.memref_slice %arg6[%dma_wait3A_144, %dma_wait3A_161, %dma_wait3A_162] : memref<8x128x64xf32, #tpu.memory_space<vmem>> -> memref<1x128x64xf32, #tpu.memory_space<vmem>>
    %dma_wait3A_164 = tpu.memref_squeeze %dma_wait3A_163 : memref<1x128x64xf32, #tpu.memory_space<vmem>> -> memref<128x64xf32, #tpu.memory_space<vmem>>
    tpu.wait_dma2 semaphore(%dma_wait3A_156 : memref<!tpu.dma_semaphore, #tpu.memory_space<semaphore_mem>>) src(%dma_wait3A_164 : memref<128x64xf32, #tpu.memory_space<vmem>>) dst(%dma_wait3A_160 : memref<128x64xf32, #tpu.memory_space<hbm>>)
    %dma_wait3A_165 = arith.constant 2 : i32
    %dma_wait3A_166 = arith.constant 0 : i32
    %dma_wait3A_167 = arith.constant 2 : i32
    %dma_wait3A_168 = arith.constant 0 : i32
    %dma_wait3A_169 = arith.constant 0 : i32
    %dma_wait3A_170 = tpu.memref_slice %arg6[%dma_wait3A_165, %dma_wait3A_168, %dma_wait3A_169] : memref<8x128x64xf32, #tpu.memory_space<vmem>> -> memref<1x128x64xf32, #tpu.memory_space<vmem>>
    %dma_wait3A_171 = tpu.memref_squeeze %dma_wait3A_170 : memref<1x128x64xf32, #tpu.memory_space<vmem>> -> memref<128x64xf32, #tpu.memory_space<vmem>>
    %dma_wait3A_172 = arith.constant 0 : i32
    %dma_wait3A_173 = arith.constant 0 : i32
    %dma_wait3A_174 = tpu.memref_slice %arg4[%add3A, %dma_wait3A_166, %dma_wait3A_172, %dma_wait3A_173] : memref<32x80x128x64xf32, #tpu.memory_space<hbm>> -> memref<1x1x128x64xf32, #tpu.memory_space<hbm>>
    %dma_wait3A_175 = tpu.memref_squeeze %dma_wait3A_174 : memref<1x1x128x64xf32, #tpu.memory_space<hbm>> -> memref<128x64xf32, #tpu.memory_space<hbm>>
    %dma_wait3A_176 = tpu.memref_slice %arg8[%dma_wait3A_167] : memref<8x!tpu.dma_semaphore, #tpu.memory_space<semaphore_mem>> -> memref<1x!tpu.dma_semaphore, #tpu.memory_space<semaphore_mem>>
    %dma_wait3A_177 = tpu.memref_squeeze %dma_wait3A_176 : memref<1x!tpu.dma_semaphore, #tpu.memory_space<semaphore_mem>> -> memref<!tpu.dma_semaphore, #tpu.memory_space<semaphore_mem>>
    %dma_wait3A_178 = arith.constant 0 : i32
    %dma_wait3A_179 = arith.constant 0 : i32
    %dma_wait3A_180 = tpu.memref_slice %arg4[%add3A, %dma_wait3A_166, %dma_wait3A_178, %dma_wait3A_179] : memref<32x80x128x64xf32, #tpu.memory_space<hbm>> -> memref<1x1x128x64xf32, #tpu.memory_space<hbm>>
    %dma_wait3A_181 = tpu.memref_squeeze %dma_wait3A_180 : memref<1x1x128x64xf32, #tpu.memory_space<hbm>> -> memref<128x64xf32, #tpu.memory_space<hbm>>
    %dma_wait3A_182 = arith.constant 0 : i32
    %dma_wait3A_183 = arith.constant 0 : i32
    %dma_wait3A_184 = tpu.memref_slice %arg6[%dma_wait3A_165, %dma_wait3A_182, %dma_wait3A_183] : memref<8x128x64xf32, #tpu.memory_space<vmem>> -> memref<1x128x64xf32, #tpu.memory_space<vmem>>
    %dma_wait3A_185 = tpu.memref_squeeze %dma_wait3A_184 : memref<1x128x64xf32, #tpu.memory_space<vmem>> -> memref<128x64xf32, #tpu.memory_space<vmem>>
    tpu.wait_dma2 semaphore(%dma_wait3A_177 : memref<!tpu.dma_semaphore, #tpu.memory_space<semaphore_mem>>) src(%dma_wait3A_185 : memref<128x64xf32, #tpu.memory_space<vmem>>) dst(%dma_wait3A_181 : memref<128x64xf32, #tpu.memory_space<hbm>>)
    %dma_wait3A_186 = arith.constant 3 : i32
    %dma_wait3A_187 = arith.constant 0 : i32
    %dma_wait3A_188 = arith.constant 3 : i32
    %dma_wait3A_189 = arith.constant 0 : i32
    %dma_wait3A_190 = arith.constant 0 : i32
    %dma_wait3A_191 = tpu.memref_slice %arg6[%dma_wait3A_186, %dma_wait3A_189, %dma_wait3A_190] : memref<8x128x64xf32, #tpu.memory_space<vmem>> -> memref<1x128x64xf32, #tpu.memory_space<vmem>>
    %dma_wait3A_192 = tpu.memref_squeeze %dma_wait3A_191 : memref<1x128x64xf32, #tpu.memory_space<vmem>> -> memref<128x64xf32, #tpu.memory_space<vmem>>
    %dma_wait3A_193 = arith.constant 0 : i32
    %dma_wait3A_194 = arith.constant 0 : i32
    %dma_wait3A_195 = tpu.memref_slice %arg4[%add3A, %dma_wait3A_187, %dma_wait3A_193, %dma_wait3A_194] : memref<32x80x128x64xf32, #tpu.memory_space<hbm>> -> memref<1x1x128x64xf32, #tpu.memory_space<hbm>>
    %dma_wait3A_196 = tpu.memref_squeeze %dma_wait3A_195 : memref<1x1x128x64xf32, #tpu.memory_space<hbm>> -> memref<128x64xf32, #tpu.memory_space<hbm>>
    %dma_wait3A_197 = tpu.memref_slice %arg8[%dma_wait3A_188] : memref<8x!tpu.dma_semaphore, #tpu.memory_space<semaphore_mem>> -> memref<1x!tpu.dma_semaphore, #tpu.memory_space<semaphore_mem>>
    %dma_wait3A_198 = tpu.memref_squeeze %dma_wait3A_197 : memref<1x!tpu.dma_semaphore, #tpu.memory_space<semaphore_mem>> -> memref<!tpu.dma_semaphore, #tpu.memory_space<semaphore_mem>>
    %dma_wait3A_199 = arith.constant 0 : i32
    %dma_wait3A_200 = arith.constant 0 : i32
    %dma_wait3A_201 = tpu.memref_slice %arg4[%add3A, %dma_wait3A_187, %dma_wait3A_199, %dma_wait3A_200] : memref<32x80x128x64xf32, #tpu.memory_space<hbm>> -> memref<1x1x128x64xf32, #tpu.memory_space<hbm>>
    %dma_wait3A_202 = tpu.memref_squeeze %dma_wait3A_201 : memref<1x1x128x64xf32, #tpu.memory_space<hbm>> -> memref<128x64xf32, #tpu.memory_space<hbm>>
    %dma_wait3A_203 = arith.constant 0 : i32
    %dma_wait3A_204 = arith.constant 0 : i32
    %dma_wait3A_205 = tpu.memref_slice %arg6[%dma_wait3A_186, %dma_wait3A_203, %dma_wait3A_204] : memref<8x128x64xf32, #tpu.memory_space<vmem>> -> memref<1x128x64xf32, #tpu.memory_space<vmem>>
    %dma_wait3A_206 = tpu.memref_squeeze %dma_wait3A_205 : memref<1x128x64xf32, #tpu.memory_space<vmem>> -> memref<128x64xf32, #tpu.memory_space<vmem>>
    tpu.wait_dma2 semaphore(%dma_wait3A_198 : memref<!tpu.dma_semaphore, #tpu.memory_space<semaphore_mem>>) src(%dma_wait3A_206 : memref<128x64xf32, #tpu.memory_space<vmem>>) dst(%dma_wait3A_202 : memref<128x64xf32, #tpu.memory_space<hbm>>)
    %dma_wait3A_207 = arith.constant 4 : i32
    %dma_wait3A_208 = arith.constant 0 : i32
    %dma_wait3A_209 = arith.constant 4 : i32
    %dma_wait3A_210 = arith.constant 0 : i32
    %dma_wait3A_211 = arith.constant 0 : i32
    %dma_wait3A_212 = tpu.memref_slice %arg6[%dma_wait3A_207, %dma_wait3A_210, %dma_wait3A_211] : memref<8x128x64xf32, #tpu.memory_space<vmem>> -> memref<1x128x64xf32, #tpu.memory_space<vmem>>
    %dma_wait3A_213 = tpu.memref_squeeze %dma_wait3A_212 : memref<1x128x64xf32, #tpu.memory_space<vmem>> -> memref<128x64xf32, #tpu.memory_space<vmem>>
    %dma_wait3A_214 = arith.constant 0 : i32
    %dma_wait3A_215 = arith.constant 0 : i32
    %dma_wait3A_216 = tpu.memref_slice %arg4[%add3A, %dma_wait3A_208, %dma_wait3A_214, %dma_wait3A_215] : memref<32x80x128x64xf32, #tpu.memory_space<hbm>> -> memref<1x1x128x64xf32, #tpu.memory_space<hbm>>
    %dma_wait3A_217 = tpu.memref_squeeze %dma_wait3A_216 : memref<1x1x128x64xf32, #tpu.memory_space<hbm>> -> memref<128x64xf32, #tpu.memory_space<hbm>>
    %dma_wait3A_218 = tpu.memref_slice %arg8[%dma_wait3A_209] : memref<8x!tpu.dma_semaphore, #tpu.memory_space<semaphore_mem>> -> memref<1x!tpu.dma_semaphore, #tpu.memory_space<semaphore_mem>>
    %dma_wait3A_219 = tpu.memref_squeeze %dma_wait3A_218 : memref<1x!tpu.dma_semaphore, #tpu.memory_space<semaphore_mem>> -> memref<!tpu.dma_semaphore, #tpu.memory_space<semaphore_mem>>
    %dma_wait3A_220 = arith.constant 0 : i32
    %dma_wait3A_221 = arith.constant 0 : i32
    %dma_wait3A_222 = tpu.memref_slice %arg4[%add3A, %dma_wait3A_208, %dma_wait3A_220, %dma_wait3A_221] : memref<32x80x128x64xf32, #tpu.memory_space<hbm>> -> memref<1x1x128x64xf32, #tpu.memory_space<hbm>>
    %dma_wait3A_223 = tpu.memref_squeeze %dma_wait3A_222 : memref<1x1x128x64xf32, #tpu.memory_space<hbm>> -> memref<128x64xf32, #tpu.memory_space<hbm>>
    %dma_wait3A_224 = arith.constant 0 : i32
    %dma_wait3A_225 = arith.constant 0 : i32
    %dma_wait3A_226 = tpu.memref_slice %arg6[%dma_wait3A_207, %dma_wait3A_224, %dma_wait3A_225] : memref<8x128x64xf32, #tpu.memory_space<vmem>> -> memref<1x128x64xf32, #tpu.memory_space<vmem>>
    %dma_wait3A_227 = tpu.memref_squeeze %dma_wait3A_226 : memref<1x128x64xf32, #tpu.memory_space<vmem>> -> memref<128x64xf32, #tpu.memory_space<vmem>>
    tpu.wait_dma2 semaphore(%dma_wait3A_219 : memref<!tpu.dma_semaphore, #tpu.memory_space<semaphore_mem>>) src(%dma_wait3A_227 : memref<128x64xf32, #tpu.memory_space<vmem>>) dst(%dma_wait3A_223 : memref<128x64xf32, #tpu.memory_space<hbm>>)
    %dma_wait3A_228 = arith.constant 5 : i32
    %dma_wait3A_229 = arith.constant 0 : i32
    %dma_wait3A_230 = arith.constant 5 : i32
    %dma_wait3A_231 = arith.constant 0 : i32
    %dma_wait3A_232 = arith.constant 0 : i32
    %dma_wait3A_233 = tpu.memref_slice %arg6[%dma_wait3A_228, %dma_wait3A_231, %dma_wait3A_232] : memref<8x128x64xf32, #tpu.memory_space<vmem>> -> memref<1x128x64xf32, #tpu.memory_space<vmem>>
    %dma_wait3A_234 = tpu.memref_squeeze %dma_wait3A_233 : memref<1x128x64xf32, #tpu.memory_space<vmem>> -> memref<128x64xf32, #tpu.memory_space<vmem>>
    %dma_wait3A_235 = arith.constant 0 : i32
    %dma_wait3A_236 = arith.constant 0 : i32
    %dma_wait3A_237 = tpu.memref_slice %arg4[%add3A, %dma_wait3A_229, %dma_wait3A_235, %dma_wait3A_236] : memref<32x80x128x64xf32, #tpu.memory_space<hbm>> -> memref<1x1x128x64xf32, #tpu.memory_space<hbm>>
    %dma_wait3A_238 = tpu.memref_squeeze %dma_wait3A_237 : memref<1x1x128x64xf32, #tpu.memory_space<hbm>> -> memref<128x64xf32, #tpu.memory_space<hbm>>
    %dma_wait3A_239 = tpu.memref_slice %arg8[%dma_wait3A_230] : memref<8x!tpu.dma_semaphore, #tpu.memory_space<semaphore_mem>> -> memref<1x!tpu.dma_semaphore, #tpu.memory_space<semaphore_mem>>
    %dma_wait3A_240 = tpu.memref_squeeze %dma_wait3A_239 : memref<1x!tpu.dma_semaphore, #tpu.memory_space<semaphore_mem>> -> memref<!tpu.dma_semaphore, #tpu.memory_space<semaphore_mem>>
    %dma_wait3A_241 = arith.constant 0 : i32
    %dma_wait3A_242 = arith.constant 0 : i32
    %dma_wait3A_243 = tpu.memref_slice %arg4[%add3A, %dma_wait3A_229, %dma_wait3A_241, %dma_wait3A_242] : memref<32x80x128x64xf32, #tpu.memory_space<hbm>> -> memref<1x1x128x64xf32, #tpu.memory_space<hbm>>
    %dma_wait3A_244 = tpu.memref_squeeze %dma_wait3A_243 : memref<1x1x128x64xf32, #tpu.memory_space<hbm>> -> memref<128x64xf32, #tpu.memory_space<hbm>>
    %dma_wait3A_245 = arith.constant 0 : i32
    %dma_wait3A_246 = arith.constant 0 : i32
    %dma_wait3A_247 = tpu.memref_slice %arg6[%dma_wait3A_228, %dma_wait3A_245, %dma_wait3A_246] : memref<8x128x64xf32, #tpu.memory_space<vmem>> -> memref<1x128x64xf32, #tpu.memory_space<vmem>>
    %dma_wait3A_248 = tpu.memref_squeeze %dma_wait3A_247 : memref<1x128x64xf32, #tpu.memory_space<vmem>> -> memref<128x64xf32, #tpu.memory_space<vmem>>
    tpu.wait_dma2 semaphore(%dma_wait3A_240 : memref<!tpu.dma_semaphore, #tpu.memory_space<semaphore_mem>>) src(%dma_wait3A_248 : memref<128x64xf32, #tpu.memory_space<vmem>>) dst(%dma_wait3A_244 : memref<128x64xf32, #tpu.memory_space<hbm>>)
    %dma_wait3A_249 = arith.constant 6 : i32
    %dma_wait3A_250 = arith.constant 0 : i32
    %dma_wait3A_251 = arith.constant 6 : i32
    %dma_wait3A_252 = arith.constant 0 : i32
    %dma_wait3A_253 = arith.constant 0 : i32
    %dma_wait3A_254 = tpu.memref_slice %arg6[%dma_wait3A_249, %dma_wait3A_252, %dma_wait3A_253] : memref<8x128x64xf32, #tpu.memory_space<vmem>> -> memref<1x128x64xf32, #tpu.memory_space<vmem>>
    %dma_wait3A_255 = tpu.memref_squeeze %dma_wait3A_254 : memref<1x128x64xf32, #tpu.memory_space<vmem>> -> memref<128x64xf32, #tpu.memory_space<vmem>>
    %dma_wait3A_256 = arith.constant 0 : i32
    %dma_wait3A_257 = arith.constant 0 : i32
    %dma_wait3A_258 = tpu.memref_slice %arg4[%add3A, %dma_wait3A_250, %dma_wait3A_256, %dma_wait3A_257] : memref<32x80x128x64xf32, #tpu.memory_space<hbm>> -> memref<1x1x128x64xf32, #tpu.memory_space<hbm>>
    %dma_wait3A_259 = tpu.memref_squeeze %dma_wait3A_258 : memref<1x1x128x64xf32, #tpu.memory_space<hbm>> -> memref<128x64xf32, #tpu.memory_space<hbm>>
    %dma_wait3A_260 = tpu.memref_slice %arg8[%dma_wait3A_251] : memref<8x!tpu.dma_semaphore, #tpu.memory_space<semaphore_mem>> -> memref<1x!tpu.dma_semaphore, #tpu.memory_space<semaphore_mem>>
    %dma_wait3A_261 = tpu.memref_squeeze %dma_wait3A_260 : memref<1x!tpu.dma_semaphore, #tpu.memory_space<semaphore_mem>> -> memref<!tpu.dma_semaphore, #tpu.memory_space<semaphore_mem>>
    %dma_wait3A_262 = arith.constant 0 : i32
    %dma_wait3A_263 = arith.constant 0 : i32
    %dma_wait3A_264 = tpu.memref_slice %arg4[%add3A, %dma_wait3A_250, %dma_wait3A_262, %dma_wait3A_263] : memref<32x80x128x64xf32, #tpu.memory_space<hbm>> -> memref<1x1x128x64xf32, #tpu.memory_space<hbm>>
    %dma_wait3A_265 = tpu.memref_squeeze %dma_wait3A_264 : memref<1x1x128x64xf32, #tpu.memory_space<hbm>> -> memref<128x64xf32, #tpu.memory_space<hbm>>
    %dma_wait3A_266 = arith.constant 0 : i32
    %dma_wait3A_267 = arith.constant 0 : i32
    %dma_wait3A_268 = tpu.memref_slice %arg6[%dma_wait3A_249, %dma_wait3A_266, %dma_wait3A_267] : memref<8x128x64xf32, #tpu.memory_space<vmem>> -> memref<1x128x64xf32, #tpu.memory_space<vmem>>
    %dma_wait3A_269 = tpu.memref_squeeze %dma_wait3A_268 : memref<1x128x64xf32, #tpu.memory_space<vmem>> -> memref<128x64xf32, #tpu.memory_space<vmem>>
    tpu.wait_dma2 semaphore(%dma_wait3A_261 : memref<!tpu.dma_semaphore, #tpu.memory_space<semaphore_mem>>) src(%dma_wait3A_269 : memref<128x64xf32, #tpu.memory_space<vmem>>) dst(%dma_wait3A_265 : memref<128x64xf32, #tpu.memory_space<hbm>>)
    %dma_wait3A_270 = arith.constant 7 : i32
    %dma_wait3A_271 = arith.constant 0 : i32
    %dma_wait3A_272 = arith.constant 7 : i32
    %dma_wait3A_273 = arith.constant 0 : i32
    %dma_wait3A_274 = arith.constant 0 : i32
    %dma_wait3A_275 = tpu.memref_slice %arg6[%dma_wait3A_270, %dma_wait3A_273, %dma_wait3A_274] : memref<8x128x64xf32, #tpu.memory_space<vmem>> -> memref<1x128x64xf32, #tpu.memory_space<vmem>>
    %dma_wait3A_276 = tpu.memref_squeeze %dma_wait3A_275 : memref<1x128x64xf32, #tpu.memory_space<vmem>> -> memref<128x64xf32, #tpu.memory_space<vmem>>
    %dma_wait3A_277 = arith.constant 0 : i32
    %dma_wait3A_278 = arith.constant 0 : i32
    %dma_wait3A_279 = tpu.memref_slice %arg4[%add3A, %dma_wait3A_271, %dma_wait3A_277, %dma_wait3A_278] : memref<32x80x128x64xf32, #tpu.memory_space<hbm>> -> memref<1x1x128x64xf32, #tpu.memory_space<hbm>>
    %dma_wait3A_280 = tpu.memref_squeeze %dma_wait3A_279 : memref<1x1x128x64xf32, #tpu.memory_space<hbm>> -> memref<128x64xf32, #tpu.memory_space<hbm>>
    %dma_wait3A_281 = tpu.memref_slice %arg8[%dma_wait3A_272] : memref<8x!tpu.dma_semaphore, #tpu.memory_space<semaphore_mem>> -> memref<1x!tpu.dma_semaphore, #tpu.memory_space<semaphore_mem>>
    %dma_wait3A_282 = tpu.memref_squeeze %dma_wait3A_281 : memref<1x!tpu.dma_semaphore, #tpu.memory_space<semaphore_mem>> -> memref<!tpu.dma_semaphore, #tpu.memory_space<semaphore_mem>>
    %dma_wait3A_283 = arith.constant 0 : i32
    %dma_wait3A_284 = arith.constant 0 : i32
    %dma_wait3A_285 = tpu.memref_slice %arg4[%add3A, %dma_wait3A_271, %dma_wait3A_283, %dma_wait3A_284] : memref<32x80x128x64xf32, #tpu.memory_space<hbm>> -> memref<1x1x128x64xf32, #tpu.memory_space<hbm>>
    %dma_wait3A_286 = tpu.memref_squeeze %dma_wait3A_285 : memref<1x1x128x64xf32, #tpu.memory_space<hbm>> -> memref<128x64xf32, #tpu.memory_space<hbm>>
    %dma_wait3A_287 = arith.constant 0 : i32
    %dma_wait3A_288 = arith.constant 0 : i32
    %dma_wait3A_289 = tpu.memref_slice %arg6[%dma_wait3A_270, %dma_wait3A_287, %dma_wait3A_288] : memref<8x128x64xf32, #tpu.memory_space<vmem>> -> memref<1x128x64xf32, #tpu.memory_space<vmem>>
    %dma_wait3A_290 = tpu.memref_squeeze %dma_wait3A_289 : memref<1x128x64xf32, #tpu.memory_space<vmem>> -> memref<128x64xf32, #tpu.memory_space<vmem>>
    tpu.wait_dma2 semaphore(%dma_wait3A_282 : memref<!tpu.dma_semaphore, #tpu.memory_space<semaphore_mem>>) src(%dma_wait3A_290 : memref<128x64xf32, #tpu.memory_space<vmem>>) dst(%dma_wait3A_286 : memref<128x64xf32, #tpu.memory_space<hbm>>)
    return
  }
}

</mosaic_0001>

<sc_bundles>
// kernel: _emb.3.cloned.1.call-start
scs
__scs_entry_jumppad:
0x0: {  	(pc) =	sbr.rel $0x88, $3  }
0x1: {  	(tag) =	ssettag $0x0;
	lr =	simm.s32 $0x1  }
0x2: {  	[smem:$0x3F9F] =	sst lr;
	_ =	strace $0xD0000000  }
0x3: {  	_ = 	snop  }
0x4: {  	_ = 	snop  }
0x5: {  	_ = 	snop  }
0x6: {  	_ = 	snop  }
0x7: {  	_ = 	snop  }
__scs_overlays_trampoline_lowered:
0x8: {  	[smem:$0x3FAE] =	sst s0  }
0x9: {  	[smem:$0x3FAF] =	sst s1  }
0xa: {  	[smem:$0x3FB0] =	sst s2  }
0xb: {  	[smem:$0x3FB1] =	sst s3  }
0xc: {  	[smem:$0x3FB2] =	sst s4  }
0xd: {  	[smem:$0x3FB3] =	sst s5  }
0xe: {  	[smem:$0x3FB4] =	sst s6  }
0xf: {  	[smem:$0x3FB5] =	sst s7  }
0x10: {  	[smem:$0x3FB6] =	sst s8  }
0x11: {  	[smem:$0x3FB7] =	sst s9;
	s0 =	simm.s32 @!p0 $0x0  }
0x12: {  	s1 =	sld [smem:$0x3F9D];
	s0 =	simm.s32 @p0 $0x1  }
0x13: {  	[smem:$0x3FB8] =	sst s0;
	s0 =	simm.s32 @!p1 $0x0  }
0x14: {  	s2 =	sld [smem:$0x3F9C];
	s0 =	simm.s32 @p1 $0x1  }
0x15: {  	[smem:$0x3FB9] =	sst s0;
	s0 =	simm.s32 @!p2 $0x0  }
0x16: {  	s3 =	sld [smem:$0x3FDB];
	s0 =	simm.s32 @p2 $0x1  }
0x17: {  	s4 =	simm.s32 $0x1BF5;
	[smem:$0x3FBB] =	sst s0  }
0x18: {  	s0 =	sld [smem:$0x3F9E];
	_ =	swait.ge [sflag:s4], $0x0  }
0x19: {  	s7 =	sld [smem:$0x3F9F]  }
0x1a: {  	s8 =	sadd.s32 $0xFFFFE003, lr  }
0x1b: {  	s9 =	sadd.s32 $0xFFFFFEF7, lr;
	s5 =	simm.s32 $0xFFFFFFFF;
	p2 =	slt.u32 s8, $0xFFFFF086  }
0x1c: {  	p1 =	slt.u32 s9, $0xF7A;
	s5 =	simm.s32 @!p2 $0x0  }
0x1d: {  	s5 =	simm.s32 @p1 $0x1;
	p0 =	seq.s32 s7, s2  }
0x1e: {  	s7 =	smul.u32 @!p0 $0xF7A, s2;
	p2 =	seq.s32 @!p0 s5, $0x0  }
0x1f: {  	s9 =	smul.u32 $0xF7A, s1;
	s8 =	simm.s32 @!p0 $0x1BF5;
	p2 =	por !p2, p0  }
0x20: {  	[sflag:s8] =	ssyncset.s32 @!p0 $0xFFFFF086;
	s6 =	sadd.s32 @!p0 s3, s7;
	s7 =	simm.s32 @!p0 $0x108  }
0x21: {  	s3 =	sadd.s32 s3, s9;
	s6 =	sadd.s32 @!p0 $0x88, s6;
	s7 =	simm.s32 @p2 $0x1082  }
0x22: {  	[simem:s7], [sflag:s8] =	dma.local @!p0 [hbm:s6], $0xF7A  }
0x23: {  	s9 =	sor.u32 $0xD0000000, s2;
	s6 =	simm.s32 $0x108;
	_ =	swait.ge @!p0 [sflag:s8], $0x0  }
0x24: {  	s3 =	sadd.s32 $0x88, s3;
	s6 =	simm.s32 @!p1 $0x1082;
	[sflag:s4] =	ssyncset.s32 $0xFFFFF086  }
0x25: {  	[simem:s6], [sflag:s4] =	dma.local [hbm:s3], $0xF7A  }
0x26: {  	[smem:$0x3F9F] =	sst s1;
	(tag) =	ssettag s2;
	_ =	strace s9  }
0x27: {  	s1 =	sld [smem:$0x3FAF]  }
0x28: {  	s2 =	sld [smem:$0x3FB0]  }
0x29: {  	s4 =	sld [smem:$0x3FB2]  }
0x2a: {  	p0 =	seq.s32 s5, $0x0;
	s5 =	sld [smem:$0x3FB3]  }
0x2b: {  	s6 =	sld [smem:$0x3FB4]  }
0x2c: {  	s7 =	sld [smem:$0x3FB5]  }
0x2d: {  	s3 =	simm.s32 $0x108;
	s8 =	sld [smem:$0x3FB6]  }
0x2e: {  	s3 =	simm.s32 @!p0 $0x1082;
	s9 =	sld [smem:$0x3FB7]  }
0x2f: {  	lr =	sadd.s32 s0, s3;
	s0 =	sld [smem:$0x3FAE]  }
0x30: {  	s3 =	sld [smem:$0x3FB1]  }
0x31: {  	[smem:$0x3FBA] =	sst s10  }
0x32: {  	s10 =	sld [smem:$0x3FB8];
	_ =	sdelay $0x3  }
0x33: {  	p0 =	seq.s32 s10, $0x1;
	s10 =	sld [smem:$0x3FBA];
	_ =	sdelay $0x3  }
0x34: {  	[smem:$0x3FBA] =	sst s10  }
0x35: {  	s10 =	sld [smem:$0x3FB9];
	_ =	sdelay $0x3  }
0x36: {  	p1 =	seq.s32 s10, $0x1;
	s10 =	sld [smem:$0x3FBA];
	_ =	sdelay $0x3  }
0x37: {  	[smem:$0x3FBA] =	sst s10  }
0x38: {  	s10 =	sld [smem:$0x3FBB]  }
0x39: {  	_ = 	snop;
	(pc) =	sbr.ind lr, $3  }
0x3a: {  	_ = 	snop  }
0x3b: {  	_ = 	snop  }
0x3c: {  	p2 =	seq.s32 s10, $0x1;
	s10 =	sld [smem:$0x3FBA]  }
0x3d: {  	_ =	shalt  }
0x3e: {  	_ =	shalt  }
0x3f: {  	_ =	shalt  }
0x40: {  	_ =	shalt  }
0x41: {  	_ =	shalt  }
0x42: {  	_ =	shalt  }
0x43: {  	_ =	shalt  }
0x44: {  	_ =	shalt  }
0x45: {  	_ =	shalt  }
0x46: {  	_ =	shalt  }
0x47: {  	_ =	shalt  }
0x48: {  	_ =	shalt  }
0x49: {  	_ =	shalt  }
0x4a: {  	_ =	shalt  }
0x4b: {  	_ =	shalt  }
0x4c: {  	_ =	shalt  }
0x4d: {  	_ =	shalt  }
0x4e: {  	_ =	shalt  }
0x4f: {  	_ =	shalt  }
0x50: {  	_ =	shalt  }
0x51: {  	_ =	shalt  }
0x52: {  	_ =	shalt  }
0x53: {  	_ =	shalt  }
0x54: {  	_ =	shalt  }
0x55: {  	_ =	shalt  }
0x56: {  	_ =	shalt  }
0x57: {  	_ =	shalt  }
0x58: {  	_ =	shalt  }
0x59: {  	_ =	shalt  }
0x5a: {  	_ =	shalt  }
0x5b: {  	_ =	shalt  }
0x5c: {  	_ =	shalt  }
0x5d: {  	_ =	shalt  }
0x5e: {  	_ =	shalt  }
0x5f: {  	_ =	shalt  }
0x60: {  	_ =	shalt  }
0x61: {  	_ =	shalt  }
0x62: {  	_ =	shalt  }
0x63: {  	_ =	shalt  }
0x64: {  	_ =	shalt  }
0x65: {  	_ =	shalt  }
0x66: {  	_ =	shalt  }
0x67: {  	_ =	shalt  }
0x68: {  	_ =	shalt  }
0x69: {  	_ =	shalt  }
0x6a: {  	_ =	shalt  }
0x6b: {  	_ =	shalt  }
0x6c: {  	_ =	shalt  }
0x6d: {  	_ =	shalt  }
0x6e: {  	_ =	shalt  }
0x6f: {  	_ =	shalt  }
0x70: {  	_ =	shalt  }
0x71: {  	_ =	shalt  }
0x72: {  	_ =	shalt  }
0x73: {  	_ =	shalt  }
0x74: {  	_ =	shalt  }
0x75: {  	_ =	shalt  }
0x76: {  	_ =	shalt  }
0x77: {  	_ =	shalt  }
0x78: {  	_ =	shalt  }
0x79: {  	_ =	shalt  }
0x7a: {  	_ =	shalt  }
0x7b: {  	_ =	shalt  }
0x7c: {  	_ =	shalt  }
0x7d: {  	_ =	shalt  }
0x7e: {  	_ =	shalt  }
0x7f: {  	_ =	shalt  }
0x80: {  	_ =	shalt  }
0x81: {  	_ =	shalt  }
0x82: {  	_ =	shalt  }
0x83: {  	_ =	shalt  }
0x84: {  	_ =	shalt  }
0x85: {  	_ =	shalt  }
0x86: {  	_ =	shalt  }
0x87: {  	_ =	shalt  }
.Lfunc_end0:
.L_simem_size_0:
called_computation.1_lowered:
.L_overlay_start_0:
0x88: {  	s2 =	sld [smem:$0x3FD9]  }
0x89: {  	s3 =	sld [smem:$0x3FFE];
	_ =	sdelay $0x1  }
0x8a: {  	s1 =	srdreg.scid  }
0x8b: {  	s0 =	sand.u32 $0x1, s1  }
0x8c: {  	s17 =	sshll.u32 s0, $0xA;
	s2 =	sadd.s32 s3, s2  }
0x8d: {  	s2 =	sadd.s32 s2, s17  }
0x8e: {  	[smem:$0x3FC6] =	sst s2  }
0x8f: {  	_ = 	snop  }
0x90: {  	s2 =	sld [smem:$0x3FC9]  }
0x91: {  	s18 =	sld [smem:$0x3FD0];
	(tm) =	ssettm $0x1  }
0x92: {  	s4 =	sld [smem:$0x3FFB];
	_ =	sdelay $0x3  }
0x93: {  	_ =	strace s4  }
0x94: {  	s4 =	sld [smem:$0x3FFC];
	_ =	sdelay $0x3  }
0x95: {  	_ =	strace s4  }
0x96: {  	s4 =	sld [smem:$0x3FFD];
	_ =	sdelay $0x3  }
0x97: {  	_ =	strace s4  }
0x98: {  	_ =	strace $0x8FFFFFFF  }
0x99: {  	s19 =	sld [smem:$0x3FDB];
	_ =	sdelay $0x1  }
0x9a: {  	s5 =	simm.s32 $_scs_section_size  }
0x9b: {  	s6 =	simm.s32 $_size__tile_overlayer_lowered;
	s7 =	simm.s32 $_tile_overlayer_lowered  }
0x9c: {  	s22 =	simm.s32 $0x1BFF;
	s21 =	sshll.u32 s7, $0x1;
	s4 =	sadd.s32 s5, s19  }
0x9d: {  	s8 =	simm.s32 $0x0;
	s20 =	sshll.u32 s6, $0x1;
	s6 =	sadd.s32 s21, s4  }
0x9e: {  	[timem:s8], [sflag:s22] =	dma.local [hbm:s6], s20  }
0x9f: {  	_ =	swait.ge [sflag:s22], s20  }
0xa0: {  	s5 =	ssub.s32 $0x0, s20;
	[sflag:s22] =	ssyncset.done $0x0  }
0xa1: {  	[sflag:s22] =	ssyncadd.s32 s5;
	_ =	sdelay $0x1  }
0xa2: {  	s23 =	simm.s32 $0x1B8B  }
0xa3: {  	_ =	swait.ge [sflag:s23], $0x1  }
0xa4: {  	[sflag:s23] =	ssyncset.done $0x0  }
0xa5: {  	s25 =	simm.s32 $0x1B8E;
	s24 =	sld [smem:$0x3FFE];
	[sflag:s23] =	ssyncadd.s32 $0xFFFFFFFF  }
0xa6: {  	s26 =	simm.s32 $execute0_lowered;
	[smem:$0x3FD2] =	sst s25  }
0xa7: {  	s6 =	sshll.u32 s26, $0x1;
	_ =	strace $0x80000046;
	[dreg:$0x1] =	wrdreg $0xFFFFFFFF  }
0xa8: {  	s28 =	simm.s32 $_size_execute0_lowered;
	s4 =	sadd.s32 s4, s6;
	[dreg:$0x0] =	wrdreg $0x0  }
0xa9: {  	s6 =	sshll.u32 s28, $0x1;
	[dreg:$0x2] =	wrdreg s4  }
0xaa: {  	[dreg:$0x3] =	wrdreg s6  }
0xab: {  	[dreg:$0x4] =	wrdreg $0xC0  }
0xac: {  	_ =	task [dreg:s8], $0x5FFFF  }
0xad: {  	[dreg:$0x1] =	wrdreg $0xFFFFFFFF  }
0xae: {  	[dreg:$0x0] =	wrdreg $0x60  }
0xaf: {  	[dreg:$0x2] =	wrdreg s2  }
0xb0: {  	[dreg:$0x3] =	wrdreg s24  }
0xb1: {  	[dreg:$0x4] =	wrdreg s18  }
0xb2: {  	[dreg:$0x5] =	wrdreg $0x9  }
0xb3: {  	_ =	task.clear_ibuf [dreg:s8], $0x6FFFF;
	_ =	strace $0x90000046  }
0xb4: {  	s29 =	simm.s32 $0x9;
	_ =	strace $0x80000048  }
0xb5: {  	_ =	swait.ge [sflag:s29], $0x1  }
0xb6: {  	[sflag:s29] =	ssyncadd.s32 $0xFFFFFFFF  }
0xb7: {  	_ =	strace $0x90000048  }
0xb8: {  	_ =	sfence  }
0xb9: {  	s30 =	sld [smem:$0x0];
	_ =	sdelay $0x2  }
0xba: {  	s31 =	sshll.u32 s1, $0xD;
	s1 =	sshrl.u32 s1, $0x2  }
0xbb: {  	s3 =	sand.u32 $0x4000, s31;
	s1 =	sadd.s32 s1, s30  }
0xbc: {  	s0 =	sor.u32 s3, s0;
	s1 =	sshll.u32 s1, $0x11  }
0xbd: {  	s0 =	sor.u32 s1, s0  }
0xbe: {  	s0 =	sadd.s32 $0x8F2B, s0  }
0xbf: {  	[sflag:s0] =	ssyncadd.remote.s32 $0x1  }
0xc0: {  	_ =	sfence.sel $0xFFFF  }
0xc1: {  	[dreg:$0x0] =	wrdreg $0xFFFFFFFF;
	(pc) =	sbr.abs _section_cstart, $3  }
0xc2: {  	[dreg:$0x1] =	wrdreg $0xFFFFFFFF  }
0xc3: {  	_ =	task.clear_ibuf [dreg:s8], $0x2FFFF;
	_ =	strace $0x9FFFFFFF  }
0xc4: {  	(tm) =	ssettm $0x7FFFFFFF  }
0xc5: {  	_ =	shalt  }
tec
execute0_lowered:
.L_overlay_start_1:
0x0: {  	(tag) =	ssettag $0x1  }
0x1: {  	s0 =	rddreg [dreg:$0x0]  }
0x2: {  	s1 =	rddreg [dreg:$0x1];
	s3 =	simm.s32 $0x0  }
0x3: {  	s2 =	srdreg.scid;
	s5 =	stileid.u32;
	s16 =	simm.s32 $0x2800  }
0x4: {  	s18 =	simm.s32 $0x4800;
	s29 =	simm.s32 $0xE800;
	s31 =	simm.s32 $0x10800  }
0x5: {  	s19 =	simm.s32 $0x4;
	s28 =	simm.s32 $0x8;
	s15 =	simm.s32 $0x0  }
0x6: {  	s2 =	sand.u32 $0x1, s2;
	s4 =	sshll.u32 s5, $0x1;
	s5 =	smul.u32 $0x140000, s5  }
0x7: {  	[smem:$0x7FF] =	sst s3;
	s4 =	sor.u32 s2, s4;
	s6 =	smul.u32 $0xA0000, s2  }
0x8: {  	_ =	strace $0x80000047;
	s2 =	ssub.s32 $0x2, s2;
	s7 =	smul.u32 $0x500, s4  }
0x9: {  	s4 =	sadd.s32 $0xF42C00, s1;
	s20 =	sshrl.u32 s2, $0x1;
	s5 =	sadd.s32 s6, s5  }
0xa: {  	s1 =	ssub.s32 s2, s20;
	s20 =	simm.s32 $0x6800;
	s2 =	simm.s32 $0x3  }
0xb: {  	s0 =	sadd.s32 s0, s7;
	s21 =	sor.u32 $0xE000, s5;
	s1 =	smax.u32 s1, $0x1  }
0xc: {  	s22 =	sor.u32 $0xC000, s5;
	s23 =	sor.u32 $0xA000, s5;
	s24 =	sor.u32 $0x8000, s5  }
0xd: {  	s25 =	sor.u32 $0x6000, s5;
	s26 =	sor.u32 $0x4000, s5;
	[dreg:$0x4] =	wrdreg s0  }
0xe: {  	s30 =	sor.u32 $0x2000, s5;
	s14 =	sshrl.u32 s5, $0x3;
	[dreg:$0x5] =	wrdreg s1  }
0xf: {  	s7 =	sshrl.u32 s21, $0x3;
	s8 =	sshrl.u32 s22, $0x3;
	s9 =	sshrl.u32 s23, $0x3  }
0x10: {  	s10 =	sshrl.u32 s24, $0x3;
	s11 =	sshrl.u32 s25, $0x3;
	s12 =	sshrl.u32 s26, $0x3  }
0x11: {  	s13 =	sshrl.u32 s30, $0x3;
	s22 =	simm.s32 $0x8800;
	s24 =	simm.s32 $0xA800  }
0x12: {  	s26 =	simm.s32 $0xC800;
	s0 =	simm.s32 $0x1;
	s1 =	simm.s32 $0x2  }
0x13: {  	s21 =	simm.s32 $0x5;
	s23 =	simm.s32 $0x6;
	s25 =	simm.s32 $0x7  }
.LBB2_1:
0x14: {  	[dreg:$0x6] =	wrdreg s15  }
0x15: {  	s5 =	rddreg [dreg:$0x4];
	s15 =	simm.s32 $0x11  }
0x16: {  	[tilespmem:s3], [sflag:$0x11] =	stream.linear.gather [hbm4b:s5+s3], $0x2800, $0x38;
	[tilespmem:$0x12800] =	vst v63  }
0x17: {  	_ =	swait.ge [sflag:s15], $0x2800  }
0x18: {  	[sflag:s15] =	ssyncset.done $0x0  }
0x19: {  	s5 =	simm.s32 $0x80;
	[sflag:s15] =	ssyncadd.s32 $0xFFFFD800  }
0x1a: {  	[tilespmem:s16], [sflag:$0x1] =	stream.indirect.gather [hbm4b:s4+s5], $0x40, s3, s5, $0xb8;
	[tilespmem:$0x12800] =	vst v63  }
0x1b: {  	_ = 	snop  }
0x1c: {  	[tilespmem:s18], [sflag:$0x2] =	stream.indirect.gather [hbm4b:s4+s5], $0x40, s5, s5, $0xb8;
	[tilespmem:$0x12800] =	vst v63  }
0x1d: {  	s6 =	simm.s32 $0x100  }
0x1e: {  	[tilespmem:s20], [sflag:$0x3] =	stream.indirect.gather [hbm4b:s4+s5], $0x40, s6, s5, $0xb8;
	[tilespmem:$0x12800] =	vst v63  }
0x1f: {  	s17 =	simm.s32 $0x180  }
0x20: {  	[tilespmem:s22], [sflag:$0x4] =	stream.indirect.gather [hbm4b:s4+s5], $0x40, s17, s5, $0xb8;
	[tilespmem:$0x12800] =	vst v63  }
0x21: {  	s30 =	simm.s32 $0x200  }
0x22: {  	[tilespmem:s24], [sflag:$0x5] =	stream.indirect.gather [hbm4b:s4+s5], $0x40, s30, s5, $0xb8;
	[tilespmem:$0x12800] =	vst v63  }
0x23: {  	s15 =	simm.s32 $0x280  }
0x24: {  	[tilespmem:s26], [sflag:$0x6] =	stream.indirect.gather [hbm4b:s4+s5], $0x40, s15, s5, $0xb8;
	[tilespmem:$0x12800] =	vst v63  }
0x25: {  	s17 =	simm.s32 $0x300  }
0x26: {  	[tilespmem:s29], [sflag:$0x7] =	stream.indirect.gather [hbm4b:s4+s5], $0x40, s17, s5, $0xb8;
	[tilespmem:$0x12800] =	vst v63  }
0x27: {  	s30 =	simm.s32 $0x380  }
0x28: {  	[tilespmem:s31], [sflag:$0x8] =	stream.indirect.gather [hbm4b:s4+s5], $0x40, s30, s5, $0xb8;
	[tilespmem:$0x12800] =	vst v63  }
0x29: {  	s6 =	simm.s32 $0x0;
	s5 =	rddreg [dreg:$0x2]  }
.LBB2_2:
0x2a: {  	_ =	swait.ge [sflag:s0], $0x2000  }
0x2b: {  	[sflag:s0] =	ssyncset.done $0x0  }
0x2c: {  	s15 =	sadd.s32 s5, s14;
	[sflag:s0] =	ssyncadd.s32 $0xFFFFE000  }
0x2d: {  	[hbm4b:s15+s3] =	stream.linear.scatter [tilespmem:s16], [sflag:$0x9], $0x2000, $0x38;
	[tilespmem:$0x12800] =	vst v63  }
0x2e: {  	_ =	swait.ge [sflag:s1], $0x2000  }
0x2f: {  	[sflag:s1] =	ssyncset.done $0x0  }
0x30: {  	s30 =	sadd.s32 s5, s13;
	[sflag:s1] =	ssyncadd.s32 $0xFFFFE000  }
0x31: {  	[hbm4b:s30+s3] =	stream.linear.scatter [tilespmem:s18], [sflag:$0xA], $0x2000, $0x38;
	[tilespmem:$0x12800] =	vst v63  }
0x32: {  	_ =	swait.ge [sflag:s2], $0x2000  }
0x33: {  	[sflag:s2] =	ssyncset.done $0x0  }
0x34: {  	s16 =	sadd.s32 s5, s12;
	[sflag:s2] =	ssyncadd.s32 $0xFFFFE000  }
0x35: {  	[hbm4b:s16+s3] =	stream.linear.scatter [tilespmem:s20], [sflag:$0xB], $0x2000, $0x38;
	[tilespmem:$0x12800] =	vst v63  }
0x36: {  	_ =	swait.ge [sflag:s19], $0x2000  }
0x37: {  	[sflag:s19] =	ssyncset.done $0x0  }
0x38: {  	s17 =	sadd.s32 s5, s11;
	[sflag:s19] =	ssyncadd.s32 $0xFFFFE000  }
0x39: {  	[hbm4b:s17+s3] =	stream.linear.scatter [tilespmem:s22], [sflag:$0xC], $0x2000, $0x38;
	[tilespmem:$0x12800] =	vst v63  }
0x3a: {  	_ =	swait.ge [sflag:s21], $0x2000  }
0x3b: {  	[sflag:s21] =	ssyncset.done $0x0  }
0x3c: {  	s30 =	sadd.s32 s5, s10;
	[sflag:s21] =	ssyncadd.s32 $0xFFFFE000  }
0x3d: {  	[hbm4b:s30+s3] =	stream.linear.scatter [tilespmem:s24], [sflag:$0xD], $0x2000, $0x38;
	[tilespmem:$0x12800] =	vst v63  }
0x3e: {  	_ =	swait.ge [sflag:s23], $0x2000  }
0x3f: {  	[sflag:s23] =	ssyncset.done $0x0  }
0x40: {  	s16 =	sadd.s32 s5, s9;
	[sflag:s23] =	ssyncadd.s32 $0xFFFFE000  }
0x41: {  	[hbm4b:s16+s3] =	stream.linear.scatter [tilespmem:s26], [sflag:$0xE], $0x2000, $0x38;
	[tilespmem:$0x12800] =	vst v63  }
0x42: {  	_ =	swait.ge [sflag:s25], $0x2000  }
0x43: {  	[sflag:s25] =	ssyncset.done $0x0  }
0x44: {  	s17 =	sadd.s32 s5, s8;
	[sflag:s25] =	ssyncadd.s32 $0xFFFFE000  }
0x45: {  	[hbm4b:s17+s3] =	stream.linear.scatter [tilespmem:s29], [sflag:$0xF], $0x2000, $0x38;
	[tilespmem:$0x12800] =	vst v63  }
0x46: {  	_ =	swait.ge [sflag:s28], $0x2000  }
0x47: {  	p0 =	seq.s32 s6, $0x9000;
	[sflag:s28] =	ssyncset.done $0x0  }
0x48: {  	s15 =	simm.s32 @!p0 $0x9;
	s30 =	sadd.s32 s5, s7;
	[sflag:s28] =	ssyncadd.s32 $0xFFFFE000  }
0x49: {  	[hbm4b:s30+s3] =	stream.linear.scatter [tilespmem:s31], [sflag:$0x10], $0x2000, $0x38;
	[tilespmem:$0x12800] =	vst v63  }
0x4a: {  	_ =	swait.ge @!p0 [sflag:s15], $0x2000  }
0x4b: {  	[sflag:s15] =	ssyncset.done @!p0 $0x0  }
0x4c: {  	[sflag:s15] =	ssyncadd.s32 @!p0 $0xFFFFE000;
	s15 =	sshra.s32 @!p0 s6, $0x2  }
0x4d: {  	s17 =	simm.s32 @!p0 $0x2800;
	s30 =	simm.s32 @!p0 $0x80;
	s16 =	sadd.s32 @!p0 $0x400, s15  }
0x4e: {  	[tilespmem:s17], [sflag:$0x1] =	stream.indirect.gather @!p0 [hbm4b:s4+s30], $0x40, s16, s30, $0xb8;
	[tilespmem:$0x12800] =	vst v63  }
0x4f: {  	s16 =	simm.s32 @!p0 $0xA  }
0x50: {  	_ =	swait.ge @!p0 [sflag:s16], $0x2000  }
0x51: {  	[sflag:s16] =	ssyncset.done @!p0 $0x0  }
0x52: {  	s17 =	simm.s32 @!p0 $0x4800;
	[sflag:s16] =	ssyncadd.s32 @!p0 $0xFFFFE000;
	s16 =	sadd.s32 @!p0 $0x480, s15  }
0x53: {  	[tilespmem:s17], [sflag:$0x2] =	stream.indirect.gather @!p0 [hbm4b:s4+s30], $0x40, s16, s30, $0xb8;
	[tilespmem:$0x12800] =	vst v63  }
0x54: {  	s16 =	simm.s32 @!p0 $0xB  }
0x55: {  	_ =	swait.ge @!p0 [sflag:s16], $0x2000  }
0x56: {  	[sflag:s16] =	ssyncset.done @!p0 $0x0  }
0x57: {  	s17 =	simm.s32 @!p0 $0x6800;
	[sflag:s16] =	ssyncadd.s32 @!p0 $0xFFFFE000;
	s16 =	sadd.s32 @!p0 $0x500, s15  }
0x58: {  	[tilespmem:s17], [sflag:$0x3] =	stream.indirect.gather @!p0 [hbm4b:s4+s30], $0x40, s16, s30, $0xb8;
	[tilespmem:$0x12800] =	vst v63  }
0x59: {  	s16 =	simm.s32 @!p0 $0xC  }
0x5a: {  	_ =	swait.ge @!p0 [sflag:s16], $0x2000  }
0x5b: {  	[sflag:s16] =	ssyncset.done @!p0 $0x0  }
0x5c: {  	s17 =	simm.s32 @!p0 $0x8800;
	[sflag:s16] =	ssyncadd.s32 @!p0 $0xFFFFE000;
	s16 =	sadd.s32 @!p0 $0x580, s15  }
0x5d: {  	[tilespmem:s17], [sflag:$0x4] =	stream.indirect.gather @!p0 [hbm4b:s4+s30], $0x40, s16, s30, $0xb8;
	[tilespmem:$0x12800] =	vst v63  }
0x5e: {  	s16 =	simm.s32 @!p0 $0xD  }
0x5f: {  	_ =	swait.ge @!p0 [sflag:s16], $0x2000  }
0x60: {  	[sflag:s16] =	ssyncset.done @!p0 $0x0  }
0x61: {  	s17 =	simm.s32 @!p0 $0xA800;
	[sflag:s16] =	ssyncadd.s32 @!p0 $0xFFFFE000;
	s16 =	sadd.s32 @!p0 $0x600, s15  }
0x62: {  	[tilespmem:s17], [sflag:$0x5] =	stream.indirect.gather @!p0 [hbm4b:s4+s30], $0x40, s16, s30, $0xb8;
	[tilespmem:$0x12800] =	vst v63  }
0x63: {  	s16 =	simm.s32 @!p0 $0xE  }
0x64: {  	_ =	swait.ge @!p0 [sflag:s16], $0x2000  }
0x65: {  	[sflag:s16] =	ssyncset.done @!p0 $0x0  }
0x66: {  	s17 =	simm.s32 @!p0 $0xC800;
	[sflag:s16] =	ssyncadd.s32 @!p0 $0xFFFFE000;
	s16 =	sadd.s32 @!p0 $0x680, s15  }
0x67: {  	[tilespmem:s17], [sflag:$0x6] =	stream.indirect.gather @!p0 [hbm4b:s4+s30], $0x40, s16, s30, $0xb8;
	[tilespmem:$0x12800] =	vst v63  }
0x68: {  	s16 =	simm.s32 @!p0 $0xF  }
0x69: {  	s6 =	sadd.s32 @!p0 $0x1000, s6;
	_ =	swait.ge @!p0 [sflag:s16], $0x2000  }
0x6a: {  	p1 =	sne.s32 @!p0 s6, $0xA000;
	[sflag:s16] =	ssyncset.done @!p0 $0x0  }
0x6b: {  	s17 =	simm.s32 @!p0 $0xE800;
	[sflag:s16] =	ssyncadd.s32 @!p0 $0xFFFFE000;
	s16 =	sadd.s32 @!p0 $0x700, s15  }
0x6c: {  	[tilespmem:s17], [sflag:$0x7] =	stream.indirect.gather @!p0 [hbm4b:s4+s30], $0x40, s16, s30, $0xb8;
	[tilespmem:$0x12800] =	vst v63  }
0x6d: {  	p1 =	por p0, !p1;
	s16 =	simm.s32 @!p0 $0x10  }
.Ltmp0:
0x6e: {  	_ =	swait.ge @!p0 [sflag:s16], $0x2000;
	(pc) =	sbr.rel @!p1 .LBB2_2-.Ltmp0, $4  }
0x6f: {  	[sflag:s16] =	ssyncset.done @!p0 $0x0  }
0x70: {  	s15 =	sadd.s32 @!p0 $0x780, s15;
	[sflag:s16] =	ssyncadd.s32 @!p0 $0xFFFFE000;
	s16 =	simm.s32 @!p0 $0x10800  }
0x71: {  	[tilespmem:s16], [sflag:$0x8] =	stream.indirect.gather @!p0 [hbm4b:s4+s30], $0x40, s15, s30, $0xb8;
	[tilespmem:$0x12800] =	vst v63  }
0x72: {  	s5 =	sadd.s32 @!p0 $0x2000, s5;
	s16 =	simm.s32 $0x2800  }
0x73: {  	s5 =	simm.s32 $0x9  }
0x74: {  	_ =	swait.ge [sflag:s5], $0x2000  }
0x75: {  	[sflag:s5] =	ssyncset.done $0x0  }
0x76: {  	s15 =	simm.s32 $0xA;
	[sflag:s5] =	ssyncadd.s32 $0xFFFFE000  }
0x77: {  	_ =	swait.ge [sflag:s15], $0x2000  }
0x78: {  	[sflag:s15] =	ssyncset.done $0x0  }
0x79: {  	s17 =	simm.s32 $0xB;
	[sflag:s15] =	ssyncadd.s32 $0xFFFFE000  }
0x7a: {  	_ =	swait.ge [sflag:s17], $0x2000  }
0x7b: {  	[sflag:s17] =	ssyncset.done $0x0  }
0x7c: {  	s30 =	simm.s32 $0xC;
	[sflag:s17] =	ssyncadd.s32 $0xFFFFE000  }
0x7d: {  	_ =	swait.ge [sflag:s30], $0x2000  }
0x7e: {  	[sflag:s30] =	ssyncset.done $0x0  }
0x7f: {  	s6 =	simm.s32 $0xD;
	[sflag:s30] =	ssyncadd.s32 $0xFFFFE000  }
0x80: {  	_ =	swait.ge [sflag:s6], $0x2000  }
0x81: {  	[sflag:s6] =	ssyncset.done $0x0  }
0x82: {  	s15 =	simm.s32 $0xE;
	[sflag:s6] =	ssyncadd.s32 $0xFFFFE000  }
0x83: {  	_ =	swait.ge [sflag:s15], $0x2000  }
0x84: {  	[sflag:s15] =	ssyncset.done $0x0  }
0x85: {  	s17 =	simm.s32 $0xF;
	[sflag:s15] =	ssyncadd.s32 $0xFFFFE000  }
0x86: {  	_ =	swait.ge [sflag:s17], $0x2000  }
0x87: {  	[sflag:s17] =	ssyncset.done $0x0  }
0x88: {  	s6 =	simm.s32 $0x10;
	[sflag:s17] =	ssyncadd.s32 $0xFFFFE000  }
0x89: {  	_ =	swait.ge [sflag:s6], $0x2000  }
0x8a: {  	s15 =	rddreg [dreg:$0x6]  }
0x8b: {  	s30 =	rddreg [dreg:$0x5];
	s15 =	sadd.s32 $0x1, s15  }
0x8c: {  	p0 =	sne.s32 s15, s30  }
.Ltmp1:
0x8d: {  	_ = 	snop;
	(pc) =	sbr.rel @p0 .LBB2_1-.Ltmp1, $3  }
0x8e: {  	_ =	sdelay $0x1  }
0x8f: {  	[sflag:s6] =	ssyncset.done $0x0  }
0x90: {  	[sflag:s6] =	ssyncadd.s32 $0xFFFFE000  }
0x91: {  	_ =	sfence.sel $0x180000  }
0x92: {  	[bflag:$0x0] =	sbarrier.arrive $0xFFFF  }
0x93: {  	_ =	strace $0x90000047  }
0x94: {  	s0 =	stileid.u32;
	[bflag:$0x2] =	sbarrier.arrive $0xFFFF  }
0x95: {  	p0 =	sne.s32 s0, $0x0;
	s0 =	rddreg [dreg:$0x3]  }
0x96: {  	s0 =	sadd.s32 @!p0 $0x100000, s0  }
0x97: {  	[sflag:s0] =	ssyncadd.tile.s32 @!p0 $0x1;
	_ =	shalt  }
.Lfunc_end2:
_tile_overlayer_lowered:
.L_overlay_start_2:
0x98: {  	(tag) =	ssettag $0x2  }
0x99: {  	s0 =	rddreg [dreg:$0x0];
	s2 =	stileid.u32  }
0x9a: {  	s1 =	rddreg [dreg:$0x1];
	p0 =	sne.s32 s2, $0x0  }
0x9b: {  	s3 =	rddreg [dreg:$0x2];
	[bflag:$0x3] =	sbarrier.arrive $0xFFFF;
	s2 =	simm.s32 @!p0 $0x1C11  }
0x9c: {  	[timem:s3], [sflag:s2] =	dma.local @!p0 [hbm:s0], s1  }
0x9d: {  	s0 =	simm.s32 @!p0 $0x11  }
0x9e: {  	_ =	swait.ge @!p0 [sflag:s0], s1  }
0x9f: {  	s1 =	ssub.s32 @!p0 $0x0, s1;
	[sflag:s0] =	ssyncset.done @!p0 $0x0  }
0xa0: {  	[sflag:s0] =	ssyncadd.s32 @!p0 s1  }
0xa1: {  	[bflag:$0x3] =	sbarrier.arrive $0xFFFF  }
0xa2: {  	_ =	shalt  }

// kernel: sparse-core-data-format-call.cloned.1.call-start
scs
called_computation_lowered:
.L_overlay_start_0:
0x0: {  	s2 =	sld [smem:$0x3FD9]  }
0x1: {  	s3 =	sld [smem:$0x3FFE];
	_ =	sdelay $0x1  }
0x2: {  	s1 =	srdreg.scid  }
0x3: {  	s0 =	sand.u32 $0x1, s1  }
0x4: {  	s18 =	sshll.u32 s0, $0xA;
	s2 =	sadd.s32 s3, s2  }
0x5: {  	s2 =	sadd.s32 s2, s18  }
0x6: {  	[smem:$0x3FC6] =	sst s2  }
0x7: {  	_ = 	snop  }
0x8: {  	s2 =	sld [smem:$0x3FD0];
	(tm) =	ssettm $0x1  }
0x9: {  	s19 =	sld [smem:$0x3FFB];
	_ =	sdelay $0x3  }
0xa: {  	_ =	strace s19  }
0xb: {  	s3 =	sld [smem:$0x3FFC];
	_ =	sdelay $0x3  }
0xc: {  	_ =	strace s3  }
0xd: {  	s3 =	sld [smem:$0x3FFD];
	_ =	sdelay $0x3  }
0xe: {  	_ =	strace s3  }
0xf: {  	_ =	strace $0x8FFFFFFF  }
0x10: {  	s20 =	sld [smem:$0x3FDB];
	_ =	sdelay $0x1  }
0x11: {  	s4 =	simm.s32 $_scs_section_size  }
0x12: {  	s5 =	simm.s32 $_size__tile_overlayer_lowered;
	s6 =	simm.s32 $_tile_overlayer_lowered  }
0x13: {  	s23 =	simm.s32 $0x1BFF;
	s22 =	sshll.u32 s6, $0x1;
	s3 =	sadd.s32 s4, s20  }
0x14: {  	s7 =	simm.s32 $0x0;
	s21 =	sshll.u32 s5, $0x1;
	s5 =	sadd.s32 s22, s3  }
0x15: {  	[timem:s7], [sflag:s23] =	dma.local [hbm:s5], s21  }
0x16: {  	_ =	swait.ge [sflag:s23], s21  }
0x17: {  	s4 =	ssub.s32 $0x0, s21;
	[sflag:s23] =	ssyncset.done $0x0  }
0x18: {  	[sflag:s23] =	ssyncadd.s32 s4;
	_ =	sdelay $0x1  }
0x19: {  	s24 =	simm.s32 $0x1B8B  }
0x1a: {  	_ =	swait.ge [sflag:s24], $0x1  }
0x1b: {  	[sflag:s24] =	ssyncset.done $0x0  }
0x1c: {  	s26 =	simm.s32 $0x1B8E;
	s25 =	sld [smem:$0x3FFE];
	[sflag:s24] =	ssyncadd.s32 $0xFFFFFFFF  }
0x1d: {  	s27 =	simm.s32 $execute0_lowered;
	[smem:$0x3FD2] =	sst s26  }
0x1e: {  	s5 =	sshll.u32 s27, $0x1;
	_ =	strace $0x80000049;
	[dreg:$0x1] =	wrdreg $0xFFFFFFFF  }
0x1f: {  	s28 =	simm.s32 $_size_execute0_lowered;
	s3 =	sadd.s32 s3, s5;
	[dreg:$0x0] =	wrdreg $0x0  }
0x20: {  	s5 =	sshll.u32 s28, $0x1;
	[dreg:$0x2] =	wrdreg s3  }
0x21: {  	[dreg:$0x3] =	wrdreg s5  }
0x22: {  	[dreg:$0x4] =	wrdreg $0xC0  }
0x23: {  	_ =	task [dreg:s7], $0x5FFFF  }
0x24: {  	[dreg:$0x1] =	wrdreg $0xFFFFFFFF  }
0x25: {  	[dreg:$0x0] =	wrdreg $0x60  }
0x26: {  	[dreg:$0x2] =	wrdreg s25  }
0x27: {  	[dreg:$0x3] =	wrdreg s2  }
0x28: {  	[dreg:$0x4] =	wrdreg $0x9  }
0x29: {  	_ =	task.clear_ibuf [dreg:s7], $0x5FFFF;
	_ =	strace $0x90000049  }
0x2a: {  	s29 =	simm.s32 $0x9;
	_ =	strace $0x8000004B  }
0x2b: {  	_ =	swait.ge [sflag:s29], $0x1  }
0x2c: {  	[sflag:s29] =	ssyncadd.s32 $0xFFFFFFFF  }
0x2d: {  	_ =	strace $0x9000004B  }
0x2e: {  	_ =	sfence  }
0x2f: {  	s30 =	sld [smem:$0x0];
	_ =	sdelay $0x2  }
0x30: {  	s31 =	sshll.u32 s1, $0xD;
	s1 =	sshrl.u32 s1, $0x2  }
0x31: {  	s3 =	sand.u32 $0x4000, s31;
	s1 =	sadd.s32 s1, s30  }
0x32: {  	s0 =	sor.u32 s3, s0;
	s1 =	sshll.u32 s1, $0x11  }
0x33: {  	s0 =	sor.u32 s1, s0  }
0x34: {  	s0 =	sadd.s32 $0x8F2B, s0  }
0x35: {  	[sflag:s0] =	ssyncadd.remote.s32 $0x1  }
0x36: {  	_ =	sfence.sel $0xFFFF  }
0x37: {  	[dreg:$0x0] =	wrdreg $0xFFFFFFFF;
	(pc) =	sbr.abs _section_cstart, $3  }
0x38: {  	[dreg:$0x1] =	wrdreg $0xFFFFFFFF  }
0x39: {  	_ =	task.clear_ibuf [dreg:s7], $0x2FFFF;
	_ =	strace $0x9FFFFFFF  }
0x3a: {  	(tm) =	ssettm $0x7FFFFFFF  }
0x3b: {  	_ =	shalt  }
tec
execute0_lowered:
.L_overlay_start_1:
0x0: {  	(tag) =	ssettag $0x1  }
0x1: {  	s4 =	rddreg [dreg:$0x0]  }
0x2: {  	s2 =	rddreg [dreg:$0x1]  }
0x3: {  	s0 =	rddreg [dreg:$0x2];
	_ =	strace $0x8000004A  }
0x4: {  	s3 =	srdreg.scid;
	s1 =	stileid.u32;
	s6 =	simm.s32 $0x2  }
.Ltmp0:
0x5: {  	p0 =	por $0x0, $0x0;
	s10 =	simm.s32 $0x0;
	(pc) =	sbr.rel .LBB1_1-.Ltmp0, $4  }
0x6: {  	s11 =	simm.s32 $0x0;
	s8 =	simm.s32 $0x0;
	s5 =	sshll.u32 s3, $0x4  }
0x7: {  	s7 =	simm.s32 $0x0;
	s3 =	simm.s32 $0x1;
	s5 =	sand.u32 $0x10, s5  }
0x8: {  	s4 =	sadd.s32 $0x800, s4;
	[sflag:s3] =	ssyncpa.u1 $0x0;
	s5 =	sor.u32 s1, s5  }
0x9: {  	[sflag:s6] =	ssyncpa.u1 $0x0;
	s6 =	simm.s32 $0x0;
	s9 =	smov.u32 s5  }
.LBB1_7:
0xa: {  	s12 =	sadd.s32 $0x2, s8  }
0xb: {  	s10 =	sadd.s32 $0x20, s9;
	s14 =	smov.u32 s9;
	p2 =	sgt.s32 s12, $0x4F  }
0xc: {  	p1 =	slt.u32 s7, $0x2;
	s14 =	smov.u32 @p2 s10  }
0xd: {  	s7 =	sadd.s32 $0x1, s7;
	s12 =	simm.s32 @p2 $0x0;
	p2 =	sgt.s32 s14, $0x1F  }
0xe: {  	s14 =	smov.u32 @p2 s5;
	p2 =	sne.s32 s7, $0x2A  }
.Ltmp1:
0xf: {  	_ = 	snop;
	(pc) =	sbr.rel @!p2 .LBB1_8-.Ltmp1, $4  }
0x10: {  	s13 =	simm.s32 @!p1 $0x2  }
0x11: {  	s11 =	smov.u32 s9;
	_ =	swait.ge @!p1 [sflag:s13], $0x4000  }
0x12: {  	p0 =	por !p0, !p0;
	s10 =	smov.u32 s8;
	[sflag:s13] =	ssyncset.done @!p1 $0x0  }
0x13: {  	s8 =	smov.u32 s12;
	[sflag:s13] =	ssyncadd.s32 @!p1 $0xFFFFC000;
	s9 =	smov.u32 s14  }
.LBB1_1:
0x14: {  	p1 =	sgt.u32 s7, $0x27  }
0x15: {  	s13 =	smul.u32 @!p1 $0x28000, s9  }
0x16: {  	s12 =	sxor.u32 @!p1 $0xFFFFFFFF, s7;
	s14 =	sshll.u32 @!p1 s8, $0xB  }
0x17: {  	s15 =	simm.s32 @!p1 $0x80;
	s12 =	sshll.u32 @!p1 s12, $0xE;
	s13 =	sadd.s32 @!p1 s4, s13  }
0x18: {  	s12 =	sand.u32 @!p1 $0x4000, s12;
	s13 =	sadd.s32 @!p1 s14, s13;
	s14 =	simm.s32 @!p1 $0x40  }
0x19: {  	[tilespmem:s12], [sflag:$0x1] =	stream.strided.gather @!p1 [hbm4b:s13+s14], $0x4000, s15, s14, $0x38;
	[tilespmem:$0x10100] =	vst v63  }
0x1a: {  	p1 =	seq.s32 s7, $0x0  }
0x1b: {  	p2 =	seq.s32 @!p1 s7, $0x29  }
0x1c: {  	p1 =	por p1, p2  }
.Ltmp2:
0x1d: {  	_ = 	snop;
	(pc) =	sbr.rel @p1 .LBB1_7-.Ltmp2, $1  }
0x1e: {  	_ =	sdelay $0x3  }
0x1f: {  	s12 =	simm.s32 $0x1;
	s14 =	sand.u32 $0x1, s7  }
0x20: {  	_ =	swait.ge [sflag:s3], $0x4000;
	s12 =	simm.s32 @!p0 $0x0;
	s14 =	smul.u32 $0x10200, s14  }
0x21: {  	p2 =	por $0x1, $0x1;
	[sflag:s3] =	ssyncset.done $0x0;
	s13 =	smul.u32 $0x10200, s12  }
0x22: {  	s15 =	sshll.u32 s12, $0x10;
	[sflag:s3] =	ssyncadd.s32 $0xFFFFC000;
	s30 =	sshrl.u32 s14, $0x2  }
0x23: {  	s31 =	sshrl.u32 s15, $0x2;
	s15 =	simm.s32 $0x0;
	s13 =	sshrl.u32 s13, $0x2  }
0x24: {  	s12 =	sor.u32 $0x8000, s30;
	s14 =	sadd.s32 $0x20, s31;
	s13 =	sor.u32 $0x8000, s13  }
.LBB1_3:
0x25: {  	s16 =	sshll.u32 s15, $0xD  }
0x26: {  	s16 =	sand.u32 $0x3FFFE000, s16  }
0x27: {  	s18 =	sadd.s32 s16, s14  }
0x28: {  	s31 =	smul.u32 $0x8100, s15;
	v3 =	vld [tilespmem:s18+$0x10]  }
0x29: {  	v1 =	vld [tilespmem:s18+$0xFFFFFFF0]  }
0x2a: {  	s15 =	sshra.s32 s31, $0x2;
	v0 =	vld [tilespmem:s18+$0x0]  }
0x2b: {  	s15 =	sadd.s32 s15, s13;
	v2 =	vld [tilespmem:s18+$0xFFFFFFE0]  }
0x2c: {  	s16 =	sadd.s32 $0x0, s15  }
0x2d: {  	p1 =	por p2, p2;
	s17 =	simm.s32 $0x4;
	s18 =	sadd.s32 $0x40, s18;
	[tilespmem:s16+$0x1830 ss:$0x81] =	vst.msk $0xffff, v3  }
.LBB1_4:
0x2e: {  	v3 =	vld [tilespmem:s18+$0x10];
	p2 =	sne.s32 s17, $0x1FC;
	[tilespmem:s16+$0x810 ss:$0x81] =	vst.msk $0xffff, v1;
	s19 =	smov.u32 s17;
	s17 =	sadd.s32 $0x4, s17  }
.Ltmp3:
0x2f: {  	v1 =	vld [tilespmem:s18+$0xFFFFFFF0];
	[tilespmem:s16+$0x1020 ss:$0x81] =	vst.msk $0xffff, v0;
	(pc) =	sbr.rel @p2 .LBB1_4-.Ltmp3, $4  }
0x30: {  	v0 =	vld [tilespmem:s18+$0x0];
	[tilespmem:s16+$0x0 ss:$0x81] =	vst.msk $0xffff, v2  }
0x31: {  	s16 =	sshra.s32 s19, $0x2;
	v2 =	vld [tilespmem:s18+$0xFFFFFFE0]  }
0x32: {  	s16 =	sadd.s32 s16, s15  }
0x33: {  	s18 =	sadd.s32 $0x40, s18;
	[tilespmem:s16+$0x1830 ss:$0x81] =	vst.msk $0xffff, v3  }
.Ltmp4:
0x34: {  	(pc) =	sbr.rel @p1 .LBB1_3-.Ltmp4, $4  }
0x35: {  	_ = 	snop  }
0x36: {  	[tilespmem:s16+$0x810 ss:$0x81] =	vst.msk $0xffff, v1  }
0x37: {  	[tilespmem:s16+$0x1020 ss:$0x81] =	vst.msk $0xffff, v0  }
0x38: {  	s15 =	simm.s32 $0x1;
	p2 =	por $0x0, $0x0;
	[tilespmem:s16+$0x0 ss:$0x81] =	vst.msk $0xffff, v2  }
0x39: {  	s11 =	smul.u32 $0x14000, s11  }
.Ltmp5:
0x3a: {  	_ = 	snop;
	(pc) =	sbr.rel .LBB1_7-.Ltmp5, $4  }
0x3b: {  	_ = 	snop  }
0x3c: {  	s10 =	sshll.u32 s10, $0xA;
	s11 =	sadd.s32 s2, s11  }
0x3d: {  	s10 =	sadd.s32 s10, s11  }
0x3e: {  	[hbm4b:s10+s6] =	stream.linear.scatter [tilespmem:s12], [sflag:$0x2], $0x4000, $0x20;
	[tilespmem:$0x10100] =	vst v63  }
.LBB1_8:
0x3f: {  	_ =	sfence.sel $0x180000  }
0x40: {  	s2 =	simm.s32 $0x1;
	[bflag:$0x0] =	sbarrier.arrive $0xFFFF  }
0x41: {  	s31 =	simm.s32 $0x2;
	[sflag:s2] =	ssyncpa.u1 $0x1  }
0x42: {  	[sflag:s31] =	ssyncpa.u1 $0x1  }
0x43: {  	p0 =	sne.s32 s1, $0x0;
	_ =	strace $0x9000004A  }
0x44: {  	s0 =	sadd.s32 @!p0 $0x100000, s0;
	[bflag:$0x2] =	sbarrier.arrive $0xFFFF  }
0x45: {  	[sflag:s0] =	ssyncadd.tile.s32 @!p0 $0x1;
	_ =	shalt  }
.Lfunc_end1:
_tile_overlayer_lowered:
.L_overlay_start_2:
0x46: {  	(tag) =	ssettag $0x2  }
0x47: {  	s0 =	rddreg [dreg:$0x0];
	s2 =	stileid.u32  }
0x48: {  	s1 =	rddreg [dreg:$0x1];
	p0 =	sne.s32 s2, $0x0  }
0x49: {  	s3 =	rddreg [dreg:$0x2];
	[bflag:$0x3] =	sbarrier.arrive $0xFFFF;
	s2 =	simm.s32 @!p0 $0x1C01  }
0x4a: {  	[timem:s3], [sflag:s2] =	dma.local @!p0 [hbm:s0], s1  }
0x4b: {  	s0 =	simm.s32 @!p0 $0x1  }
0x4c: {  	_ =	swait.ge @!p0 [sflag:s0], s1  }
0x4d: {  	s1 =	ssub.s32 @!p0 $0x0, s1;
	[sflag:s0] =	ssyncset.done @!p0 $0x0  }
0x4e: {  	[sflag:s0] =	ssyncadd.s32 @!p0 s1  }
0x4f: {  	[bflag:$0x3] =	sbarrier.arrive $0xFFFF  }
0x50: {  	_ =	shalt  }

</sc_bundles>
